<compile_context>
chip_gen: v7x
topology: tpu7x:2x2x1
jax: 0.10.2.dev20260603
libtpu: 0.0.44.dev20260713+nightly
codegen_flags: <defaults>
</compile_context>

<pallas_src>
import functools

import jax
import jax.numpy as jnp
from jax import lax
from jax.experimental import pallas as pl
from jax.experimental.pallas import tpu as pltpu
from jax.experimental.pallas import tpu_sc as plsc

NUM_HEADS = 16
N = 1024
NPOS = 3969
LANES = 16
NUM_CORES = 2
NUM_SUBCORES = 16
NUM_WORKERS = NUM_CORES * NUM_SUBCORES
ROWS_PER_TILE = N // NUM_WORKERS


@functools.partial(
    pl.kernel,
    out_type=jax.ShapeDtypeStruct((NUM_HEADS, N, N), jnp.float32),
    mesh=plsc.VectorSubcoreMesh(core_axis_name="c", subcore_axis_name="s"),
    scratch_types=[
        pltpu.VMEM((NUM_HEADS * NPOS,), jnp.float32),
        pltpu.VMEM((N,), jnp.int32),
        pltpu.VMEM((NUM_HEADS, N), jnp.float32),
    ],
    compiler_params=pltpu.CompilerParams(needs_layout_passes=False),
)
def _rel_bias_sc(table_hbm, idx_hbm, out_hbm, table_v, idx_v, out_v):
    wid = lax.axis_index("s") * NUM_CORES + lax.axis_index("c")
    pltpu.sync_copy(table_hbm, table_v)

    def row_body(c, carry):
        row = wid * ROWS_PER_TILE + c
        pltpu.sync_copy(idx_hbm.at[pl.ds(row * N, N)], idx_v)

        def vec_body(v, carry2):
            idx = idx_v[pl.ds(v * LANES, LANES)]
            for h in range(NUM_HEADS):
                vals = plsc.load_gather(table_v, [idx + h * NPOS])
                out_v[h, pl.ds(v * LANES, LANES)] = vals
            return carry2

        lax.fori_loop(0, N // LANES, vec_body, 0)
        for h in range(NUM_HEADS):
            pltpu.sync_copy(out_v.at[h], out_hbm.at[h, row])
        return carry

    lax.fori_loop(0, ROWS_PER_TILE, row_body, 0)


def kernel(bias_table, rel_index):
    table_t = jnp.transpose(bias_table).reshape(-1)
    idx = rel_index.reshape(-1)
    return _rel_bias_sc(table_t, idx)

# --- scband reference (transcript-rebuilt; emitter-appended) ---
"""Pipeline reference for scband-relative-position-bias-31705448579168 (READ-ONLY COPY).

The authoritative reference and input builder live on the scoring server;
editing this copy changes nothing except your own understanding.
"""

import jax, jax.numpy as jnp
import numpy as np

H = 32
W = 32
NUM_HEADS = 16


def _build_rel_index(H, W):
    coords_h = np.arange(H)
    coords_w = np.arange(W)
    coords = np.stack(np.meshgrid(coords_h, coords_w, indexing='ij'))  # [2, H, W]
    coords_flat = coords.reshape(2, -1)  # [2, H*W]
    rel = coords_flat[:, :, None] - coords_flat[:, None, :]  # [2, N, N]
    rel = np.ascontiguousarray(rel.transpose(1, 2, 0))  # [N, N, 2]
    rel[:, :, 0] += H - 1
    rel[:, :, 1] += W - 1
    rel[:, :, 0] *= 2 * W - 1
    rel_index = rel.sum(-1)  # [N, N]
    return rel_index


def setup_inputs(seed: int = 0) -> dict:
    key = jax.random.key(seed)
    num_pos = (2 * H - 1) * (2 * W - 1)
    k1, _ = jax.random.split(key)
    # trunc_normal_(std=0.02) approximated by clipped normal
    bias_table = jnp.clip(jax.random.normal(k1, (num_pos, NUM_HEADS), dtype=jnp.float32) * 0.02, -0.04, 0.04)
    rel_index = jnp.asarray(_build_rel_index(H, W), dtype=jnp.int32)
    return {"bias_table": bias_table, "rel_index": rel_index}


def reference(bias_table, rel_index):
    N = H * W
    # gather: bias_table[rel_index] -> [N*N, num_heads]
    bias = jnp.take(bias_table, rel_index.reshape(-1), axis=0)
    bias = bias.reshape(N, N, NUM_HEADS)
    return jnp.transpose(bias, (2, 0, 1))

if __name__ == "__main__":
    import jax
    _d = setup_inputs()
    print(jax.jit(kernel)(*tuple(_d.values())))

</pallas_src>

<mosaic_0001>
#map = affine_map<(d0, d1) -> (0)>
#map1 = affine_map<(d0, d1) -> (0, 0, 0)>
module attributes {stable_mosaic.version = 14 : i64} {
  func.func @_rel_bias_sc(%arg0: i32, %arg1: i32, %arg2: memref<63504xf32, #tpu.memory_space<hbm>>, %arg3: memref<1048576xi32, #tpu.memory_space<hbm>>, %arg4: memref<16x1024x1024xf32, #tpu.memory_space<hbm>>, %arg5: memref<63504xf32, #tpu.memory_space<vmem>>, %arg6: memref<1024xi32, #tpu.memory_space<vmem>>, %arg7: memref<16x1024xf32, #tpu.memory_space<vmem>>) attributes {dimension_semantics = [#tpu.dimension_semantics<core_parallel>, #tpu.dimension_semantics<subcore_parallel>], iteration_bounds = array<i64: 2, 16>, scalar_prefetch = 0 : i64, scratch_operands = 3 : i64, tpu.core_type = #tpu.core_type<sc_vector_subcore>, window_params = [{transform_indices = #map}, {transform_indices = #map}, {transform_indices = #map1}]} {
    %mul3A = arith.constant 2 : i32
    %mul3A_0 = arith.muli %arg1, %mul3A : i32
    %add3A = arith.addi %mul3A_0, %arg0 : i32
    "tpu.region"() ({
      %run_scoped3A = tpu.sem_alloc : memref<!tpu.dma_semaphore, #tpu.memory_space<semaphore_mem>>
      tpu.enqueue_dma source(%arg2 : memref<63504xf32, #tpu.memory_space<hbm>>) target(%arg5 : memref<63504xf32, #tpu.memory_space<vmem>>) target_semaphore(%run_scoped3A : memref<!tpu.dma_semaphore, #tpu.memory_space<semaphore_mem>>)
      tpu.wait_dma2 semaphore(%run_scoped3A : memref<!tpu.dma_semaphore, #tpu.memory_space<semaphore_mem>>) src(%arg2 : memref<63504xf32, #tpu.memory_space<hbm>>) dst(%arg5 : memref<63504xf32, #tpu.memory_space<vmem>>)
      tpu.yield
    }) : () -> ()
    %scan3A = arith.constant 0 : i32
    %scan3A_1 = arith.constant 0 : i32
    %scan3A_2 = arith.constant 32 : i32
    %scan3A_3 = arith.addi %scan3A_1, %scan3A_2 : i32
    %scan3A_4 = arith.constant 1 : i32
    scf.for %scan3A_6 = %scan3A_1 to %scan3A_3 step %scan3A_4  : i32 {
      %mul3A_7 = arith.constant 32 : i32
      %mul3A_8 = arith.muli %add3A, %mul3A_7 : i32
      %add3A_9 = arith.addi %mul3A_8, %scan3A_6 : i32
      %mul3A_10 = arith.constant 1024 : i32
      %mul3A_11 = arith.muli %add3A_9, %mul3A_10 : i32
      "tpu.region"() ({
        %run_scoped3A_49 = tpu.sem_alloc : memref<!tpu.dma_semaphore, #tpu.memory_space<semaphore_mem>>
        %dma_start3A = tpu.memref_slice %arg3[%mul3A_11] : memref<1048576xi32, #tpu.memory_space<hbm>> -> memref<1024xi32, #tpu.memory_space<hbm>>
        %dma_start3A_50 = tpu.memref_slice %arg3[%mul3A_11] : memref<1048576xi32, #tpu.memory_space<hbm>> -> memref<1024xi32, #tpu.memory_space<hbm>>
        tpu.enqueue_dma source(%dma_start3A_50 : memref<1024xi32, #tpu.memory_space<hbm>>) target(%arg6 : memref<1024xi32, #tpu.memory_space<vmem>>) target_semaphore(%run_scoped3A_49 : memref<!tpu.dma_semaphore, #tpu.memory_space<semaphore_mem>>)
        %dma_wait3A = tpu.memref_slice %arg3[%mul3A_11] : memref<1048576xi32, #tpu.memory_space<hbm>> -> memref<1024xi32, #tpu.memory_space<hbm>>
        %dma_wait3A_51 = tpu.memref_slice %arg3[%mul3A_11] : memref<1048576xi32, #tpu.memory_space<hbm>> -> memref<1024xi32, #tpu.memory_space<hbm>>
        tpu.wait_dma2 semaphore(%run_scoped3A_49 : memref<!tpu.dma_semaphore, #tpu.memory_space<semaphore_mem>>) src(%dma_wait3A_51 : memref<1024xi32, #tpu.memory_space<hbm>>) dst(%arg6 : memref<1024xi32, #tpu.memory_space<vmem>>)
        tpu.yield
      }) : () -> ()
      %scan3A_12 = arith.constant 0 : i32
      %scan3A_13 = arith.constant 0 : i32
      %scan3A_14 = arith.constant 64 : i32
      %scan3A_15 = arith.addi %scan3A_13, %scan3A_14 : i32
      %scan3A_16 = arith.constant 1 : i32
      scf.for %scan3A_49 = %scan3A_13 to %scan3A_15 step %scan3A_16  : i32 {
        %mul3A_50 = arith.constant 16 : i32
        %mul3A_51 = arith.muli %scan3A_49, %mul3A_50 : i32
        %get3A = arith.index_cast %mul3A_51 : i32 to index
        %get3A_52 = tpu.vector_load %arg6[%get3A] {strides = array<i32>} : memref<1024xi32, #tpu.memory_space<vmem>>, vector<16xi32>,
        %add3A_53 = arith.constant 0 : i32
        %add3A_54 = vector.broadcast %add3A_53 : i32 to vector<16xi32>
        %add3A_55 = arith.addi %get3A_52, %add3A_54 : vector<16xi32>
        %gather3A = tpu.vector_load_idx %arg5[%add3A_55] : memref<63504xf32, #tpu.memory_space<vmem>>[vector<16xi32>], vector<16xf32>,
        %mul3A_56 = arith.constant 16 : i32
        %mul3A_57 = arith.muli %scan3A_49, %mul3A_56 : i32
        %swap3A = arith.constant 0 : i32
        %swap3A_58 = arith.index_cast %swap3A : i32 to index
        %swap3A_59 = arith.index_cast %mul3A_57 : i32 to index
        %swap3A_60 = tpu.vector_load %arg7[%swap3A_58, %swap3A_59] {strides = array<i32>} : memref<16x1024xf32, #tpu.memory_space<vmem>>, vector<16xf32>,
        tpu.vector_store %arg7[%swap3A_58, %swap3A_59], %gather3A {strides = array<i32>} : memref<16x1024xf32, #tpu.memory_space<vmem>>, vector<16xf32>,
        %add3A_61 = arith.constant 3969 : i32
        %add3A_62 = vector.broadcast %add3A_61 : i32 to vector<16xi32>
        %add3A_63 = arith.addi %get3A_52, %add3A_62 : vector<16xi32>
        %gather3A_64 = tpu.vector_load_idx %arg5[%add3A_63] : memref<63504xf32, #tpu.memory_space<vmem>>[vector<16xi32>], vector<16xf32>,
        %mul3A_65 = arith.constant 16 : i32
        %mul3A_66 = arith.muli %scan3A_49, %mul3A_65 : i32
        %swap3A_67 = arith.constant 1 : i32
        %swap3A_68 = arith.index_cast %swap3A_67 : i32 to index
        %swap3A_69 = arith.index_cast %mul3A_66 : i32 to index
        %swap3A_70 = tpu.vector_load %arg7[%swap3A_68, %swap3A_69] {strides = array<i32>} : memref<16x1024xf32, #tpu.memory_space<vmem>>, vector<16xf32>,
        tpu.vector_store %arg7[%swap3A_68, %swap3A_69], %gather3A_64 {strides = array<i32>} : memref<16x1024xf32, #tpu.memory_space<vmem>>, vector<16xf32>,
        %add3A_71 = arith.constant 7938 : i32
        %add3A_72 = vector.broadcast %add3A_71 : i32 to vector<16xi32>
        %add3A_73 = arith.addi %get3A_52, %add3A_72 : vector<16xi32>
        %gather3A_74 = tpu.vector_load_idx %arg5[%add3A_73] : memref<63504xf32, #tpu.memory_space<vmem>>[vector<16xi32>], vector<16xf32>,
        %mul3A_75 = arith.constant 16 : i32
        %mul3A_76 = arith.muli %scan3A_49, %mul3A_75 : i32
        %swap3A_77 = arith.constant 2 : i32
        %swap3A_78 = arith.index_cast %swap3A_77 : i32 to index
        %swap3A_79 = arith.index_cast %mul3A_76 : i32 to index
        %swap3A_80 = tpu.vector_load %arg7[%swap3A_78, %swap3A_79] {strides = array<i32>} : memref<16x1024xf32, #tpu.memory_space<vmem>>, vector<16xf32>,
        tpu.vector_store %arg7[%swap3A_78, %swap3A_79], %gather3A_74 {strides = array<i32>} : memref<16x1024xf32, #tpu.memory_space<vmem>>, vector<16xf32>,
        %add3A_81 = arith.constant 11907 : i32
        %add3A_82 = vector.broadcast %add3A_81 : i32 to vector<16xi32>
        %add3A_83 = arith.addi %get3A_52, %add3A_82 : vector<16xi32>
        %gather3A_84 = tpu.vector_load_idx %arg5[%add3A_83] : memref<63504xf32, #tpu.memory_space<vmem>>[vector<16xi32>], vector<16xf32>,
        %mul3A_85 = arith.constant 16 : i32
        %mul3A_86 = arith.muli %scan3A_49, %mul3A_85 : i32
        %swap3A_87 = arith.constant 3 : i32
        %swap3A_88 = arith.index_cast %swap3A_87 : i32 to index
        %swap3A_89 = arith.index_cast %mul3A_86 : i32 to index
        %swap3A_90 = tpu.vector_load %arg7[%swap3A_88, %swap3A_89] {strides = array<i32>} : memref<16x1024xf32, #tpu.memory_space<vmem>>, vector<16xf32>,
        tpu.vector_store %arg7[%swap3A_88, %swap3A_89], %gather3A_84 {strides = array<i32>} : memref<16x1024xf32, #tpu.memory_space<vmem>>, vector<16xf32>,
        %add3A_91 = arith.constant 15876 : i32
        %add3A_92 = vector.broadcast %add3A_91 : i32 to vector<16xi32>
        %add3A_93 = arith.addi %get3A_52, %add3A_92 : vector<16xi32>
        %gather3A_94 = tpu.vector_load_idx %arg5[%add3A_93] : memref<63504xf32, #tpu.memory_space<vmem>>[vector<16xi32>], vector<16xf32>,
        %mul3A_95 = arith.constant 16 : i32
        %mul3A_96 = arith.muli %scan3A_49, %mul3A_95 : i32
        %swap3A_97 = arith.constant 4 : i32
        %swap3A_98 = arith.index_cast %swap3A_97 : i32 to index
        %swap3A_99 = arith.index_cast %mul3A_96 : i32 to index
        %swap3A_100 = tpu.vector_load %arg7[%swap3A_98, %swap3A_99] {strides = array<i32>} : memref<16x1024xf32, #tpu.memory_space<vmem>>, vector<16xf32>,
        tpu.vector_store %arg7[%swap3A_98, %swap3A_99], %gather3A_94 {strides = array<i32>} : memref<16x1024xf32, #tpu.memory_space<vmem>>, vector<16xf32>,
        %add3A_101 = arith.constant 19845 : i32
        %add3A_102 = vector.broadcast %add3A_101 : i32 to vector<16xi32>
        %add3A_103 = arith.addi %get3A_52, %add3A_102 : vector<16xi32>
        %gather3A_104 = tpu.vector_load_idx %arg5[%add3A_103] : memref<63504xf32, #tpu.memory_space<vmem>>[vector<16xi32>], vector<16xf32>,
        %mul3A_105 = arith.constant 16 : i32
        %mul3A_106 = arith.muli %scan3A_49, %mul3A_105 : i32
        %swap3A_107 = arith.constant 5 : i32
        %swap3A_108 = arith.index_cast %swap3A_107 : i32 to index
        %swap3A_109 = arith.index_cast %mul3A_106 : i32 to index
        %swap3A_110 = tpu.vector_load %arg7[%swap3A_108, %swap3A_109] {strides = array<i32>} : memref<16x1024xf32, #tpu.memory_space<vmem>>, vector<16xf32>,
        tpu.vector_store %arg7[%swap3A_108, %swap3A_109], %gather3A_104 {strides = array<i32>} : memref<16x1024xf32, #tpu.memory_space<vmem>>, vector<16xf32>,
        %add3A_111 = arith.constant 23814 : i32
        %add3A_112 = vector.broadcast %add3A_111 : i32 to vector<16xi32>
        %add3A_113 = arith.addi %get3A_52, %add3A_112 : vector<16xi32>
        %gather3A_114 = tpu.vector_load_idx %arg5[%add3A_113] : memref<63504xf32, #tpu.memory_space<vmem>>[vector<16xi32>], vector<16xf32>,
        %mul3A_115 = arith.constant 16 : i32
        %mul3A_116 = arith.muli %scan3A_49, %mul3A_115 : i32
        %swap3A_117 = arith.constant 6 : i32
        %swap3A_118 = arith.index_cast %swap3A_117 : i32 to index
        %swap3A_119 = arith.index_cast %mul3A_116 : i32 to index
        %swap3A_120 = tpu.vector_load %arg7[%swap3A_118, %swap3A_119] {strides = array<i32>} : memref<16x1024xf32, #tpu.memory_space<vmem>>, vector<16xf32>,
        tpu.vector_store %arg7[%swap3A_118, %swap3A_119], %gather3A_114 {strides = array<i32>} : memref<16x1024xf32, #tpu.memory_space<vmem>>, vector<16xf32>,
        %add3A_121 = arith.constant 27783 : i32
        %add3A_122 = vector.broadcast %add3A_121 : i32 to vector<16xi32>
        %add3A_123 = arith.addi %get3A_52, %add3A_122 : vector<16xi32>
        %gather3A_124 = tpu.vector_load_idx %arg5[%add3A_123] : memref<63504xf32, #tpu.memory_space<vmem>>[vector<16xi32>], vector<16xf32>,
        %mul3A_125 = arith.constant 16 : i32
        %mul3A_126 = arith.muli %scan3A_49, %mul3A_125 : i32
        %swap3A_127 = arith.constant 7 : i32
        %swap3A_128 = arith.index_cast %swap3A_127 : i32 to index
        %swap3A_129 = arith.index_cast %mul3A_126 : i32 to index
        %swap3A_130 = tpu.vector_load %arg7[%swap3A_128, %swap3A_129] {strides = array<i32>} : memref<16x1024xf32, #tpu.memory_space<vmem>>, vector<16xf32>,
        tpu.vector_store %arg7[%swap3A_128, %swap3A_129], %gather3A_124 {strides = array<i32>} : memref<16x1024xf32, #tpu.memory_space<vmem>>, vector<16xf32>,
        %add3A_131 = arith.constant 31752 : i32
        %add3A_132 = vector.broadcast %add3A_131 : i32 to vector<16xi32>
        %add3A_133 = arith.addi %get3A_52, %add3A_132 : vector<16xi32>
        %gather3A_134 = tpu.vector_load_idx %arg5[%add3A_133] : memref<63504xf32, #tpu.memory_space<vmem>>[vector<16xi32>], vector<16xf32>,
        %mul3A_135 = arith.constant 16 : i32
        %mul3A_136 = arith.muli %scan3A_49, %mul3A_135 : i32
        %swap3A_137 = arith.constant 8 : i32
        %swap3A_138 = arith.index_cast %swap3A_137 : i32 to index
        %swap3A_139 = arith.index_cast %mul3A_136 : i32 to index
        %swap3A_140 = tpu.vector_load %arg7[%swap3A_138, %swap3A_139] {strides = array<i32>} : memref<16x1024xf32, #tpu.memory_space<vmem>>, vector<16xf32>,
        tpu.vector_store %arg7[%swap3A_138, %swap3A_139], %gather3A_134 {strides = array<i32>} : memref<16x1024xf32, #tpu.memory_space<vmem>>, vector<16xf32>,
        %add3A_141 = arith.constant 35721 : i32
        %add3A_142 = vector.broadcast %add3A_141 : i32 to vector<16xi32>
        %add3A_143 = arith.addi %get3A_52, %add3A_142 : vector<16xi32>
        %gather3A_144 = tpu.vector_load_idx %arg5[%add3A_143] : memref<63504xf32, #tpu.memory_space<vmem>>[vector<16xi32>], vector<16xf32>,
        %mul3A_145 = arith.constant 16 : i32
        %mul3A_146 = arith.muli %scan3A_49, %mul3A_145 : i32
        %swap3A_147 = arith.constant 9 : i32
        %swap3A_148 = arith.index_cast %swap3A_147 : i32 to index
        %swap3A_149 = arith.index_cast %mul3A_146 : i32 to index
        %swap3A_150 = tpu.vector_load %arg7[%swap3A_148, %swap3A_149] {strides = array<i32>} : memref<16x1024xf32, #tpu.memory_space<vmem>>, vector<16xf32>,
        tpu.vector_store %arg7[%swap3A_148, %swap3A_149], %gather3A_144 {strides = array<i32>} : memref<16x1024xf32, #tpu.memory_space<vmem>>, vector<16xf32>,
        %add3A_151 = arith.constant 39690 : i32
        %add3A_152 = vector.broadcast %add3A_151 : i32 to vector<16xi32>
        %add3A_153 = arith.addi %get3A_52, %add3A_152 : vector<16xi32>
        %gather3A_154 = tpu.vector_load_idx %arg5[%add3A_153] : memref<63504xf32, #tpu.memory_space<vmem>>[vector<16xi32>], vector<16xf32>,
        %mul3A_155 = arith.constant 16 : i32
        %mul3A_156 = arith.muli %scan3A_49, %mul3A_155 : i32
        %swap3A_157 = arith.constant 10 : i32
        %swap3A_158 = arith.index_cast %swap3A_157 : i32 to index
        %swap3A_159 = arith.index_cast %mul3A_156 : i32 to index
        %swap3A_160 = tpu.vector_load %arg7[%swap3A_158, %swap3A_159] {strides = array<i32>} : memref<16x1024xf32, #tpu.memory_space<vmem>>, vector<16xf32>,
        tpu.vector_store %arg7[%swap3A_158, %swap3A_159], %gather3A_154 {strides = array<i32>} : memref<16x1024xf32, #tpu.memory_space<vmem>>, vector<16xf32>,
        %add3A_161 = arith.constant 43659 : i32
        %add3A_162 = vector.broadcast %add3A_161 : i32 to vector<16xi32>
        %add3A_163 = arith.addi %get3A_52, %add3A_162 : vector<16xi32>
        %gather3A_164 = tpu.vector_load_idx %arg5[%add3A_163] : memref<63504xf32, #tpu.memory_space<vmem>>[vector<16xi32>], vector<16xf32>,
        %mul3A_165 = arith.constant 16 : i32
        %mul3A_166 = arith.muli %scan3A_49, %mul3A_165 : i32
        %swap3A_167 = arith.constant 11 : i32
        %swap3A_168 = arith.index_cast %swap3A_167 : i32 to index
        %swap3A_169 = arith.index_cast %mul3A_166 : i32 to index
        %swap3A_170 = tpu.vector_load %arg7[%swap3A_168, %swap3A_169] {strides = array<i32>} : memref<16x1024xf32, #tpu.memory_space<vmem>>, vector<16xf32>,
        tpu.vector_store %arg7[%swap3A_168, %swap3A_169], %gather3A_164 {strides = array<i32>} : memref<16x1024xf32, #tpu.memory_space<vmem>>, vector<16xf32>,
        %add3A_171 = arith.constant 47628 : i32
        %add3A_172 = vector.broadcast %add3A_171 : i32 to vector<16xi32>
        %add3A_173 = arith.addi %get3A_52, %add3A_172 : vector<16xi32>
        %gather3A_174 = tpu.vector_load_idx %arg5[%add3A_173] : memref<63504xf32, #tpu.memory_space<vmem>>[vector<16xi32>], vector<16xf32>,
        %mul3A_175 = arith.constant 16 : i32
        %mul3A_176 = arith.muli %scan3A_49, %mul3A_175 : i32
        %swap3A_177 = arith.constant 12 : i32
        %swap3A_178 = arith.index_cast %swap3A_177 : i32 to index
        %swap3A_179 = arith.index_cast %mul3A_176 : i32 to index
        %swap3A_180 = tpu.vector_load %arg7[%swap3A_178, %swap3A_179] {strides = array<i32>} : memref<16x1024xf32, #tpu.memory_space<vmem>>, vector<16xf32>,
        tpu.vector_store %arg7[%swap3A_178, %swap3A_179], %gather3A_174 {strides = array<i32>} : memref<16x1024xf32, #tpu.memory_space<vmem>>, vector<16xf32>,
        %add3A_181 = arith.constant 51597 : i32
        %add3A_182 = vector.broadcast %add3A_181 : i32 to vector<16xi32>
        %add3A_183 = arith.addi %get3A_52, %add3A_182 : vector<16xi32>
        %gather3A_184 = tpu.vector_load_idx %arg5[%add3A_183] : memref<63504xf32, #tpu.memory_space<vmem>>[vector<16xi32>], vector<16xf32>,
        %mul3A_185 = arith.constant 16 : i32
        %mul3A_186 = arith.muli %scan3A_49, %mul3A_185 : i32
        %swap3A_187 = arith.constant 13 : i32
        %swap3A_188 = arith.index_cast %swap3A_187 : i32 to index
        %swap3A_189 = arith.index_cast %mul3A_186 : i32 to index
        %swap3A_190 = tpu.vector_load %arg7[%swap3A_188, %swap3A_189] {strides = array<i32>} : memref<16x1024xf32, #tpu.memory_space<vmem>>, vector<16xf32>,
        tpu.vector_store %arg7[%swap3A_188, %swap3A_189], %gather3A_184 {strides = array<i32>} : memref<16x1024xf32, #tpu.memory_space<vmem>>, vector<16xf32>,
        %add3A_191 = arith.constant 55566 : i32
        %add3A_192 = vector.broadcast %add3A_191 : i32 to vector<16xi32>
        %add3A_193 = arith.addi %get3A_52, %add3A_192 : vector<16xi32>
        %gather3A_194 = tpu.vector_load_idx %arg5[%add3A_193] : memref<63504xf32, #tpu.memory_space<vmem>>[vector<16xi32>], vector<16xf32>,
        %mul3A_195 = arith.constant 16 : i32
        %mul3A_196 = arith.muli %scan3A_49, %mul3A_195 : i32
        %swap3A_197 = arith.constant 14 : i32
        %swap3A_198 = arith.index_cast %swap3A_197 : i32 to index
        %swap3A_199 = arith.index_cast %mul3A_196 : i32 to index
        %swap3A_200 = tpu.vector_load %arg7[%swap3A_198, %swap3A_199] {strides = array<i32>} : memref<16x1024xf32, #tpu.memory_space<vmem>>, vector<16xf32>,
        tpu.vector_store %arg7[%swap3A_198, %swap3A_199], %gather3A_194 {strides = array<i32>} : memref<16x1024xf32, #tpu.memory_space<vmem>>, vector<16xf32>,
        %add3A_201 = arith.constant 59535 : i32
        %add3A_202 = vector.broadcast %add3A_201 : i32 to vector<16xi32>
        %add3A_203 = arith.addi %get3A_52, %add3A_202 : vector<16xi32>
        %gather3A_204 = tpu.vector_load_idx %arg5[%add3A_203] : memref<63504xf32, #tpu.memory_space<vmem>>[vector<16xi32>], vector<16xf32>,
        %mul3A_205 = arith.constant 16 : i32
        %mul3A_206 = arith.muli %scan3A_49, %mul3A_205 : i32
        %swap3A_207 = arith.constant 15 : i32
        %swap3A_208 = arith.index_cast %swap3A_207 : i32 to index
        %swap3A_209 = arith.index_cast %mul3A_206 : i32 to index
        %swap3A_210 = tpu.vector_load %arg7[%swap3A_208, %swap3A_209] {strides = array<i32>} : memref<16x1024xf32, #tpu.memory_space<vmem>>, vector<16xf32>,
        tpu.vector_store %arg7[%swap3A_208, %swap3A_209], %gather3A_204 {strides = array<i32>} : memref<16x1024xf32, #tpu.memory_space<vmem>>, vector<16xf32>,
      }
      %scan3A_17 = arith.constant 64 : i32
      %run_scoped3A = arith.constant 0 : i32
      %run_scoped3A_18 = arith.constant 0 : i32
      "tpu.region"() ({
        %run_scoped3A_49 = tpu.sem_alloc : memref<!tpu.dma_semaphore, #tpu.memory_space<semaphore_mem>>
        %dma_start3A = arith.constant 0 : i32
        %dma_start3A_50 = tpu.memref_slice %arg7[%run_scoped3A, %dma_start3A] : memref<16x1024xf32, #tpu.memory_space<vmem>> -> memref<1x1024xf32, #tpu.memory_space<vmem>>
        %dma_start3A_51 = tpu.memref_squeeze %dma_start3A_50 : memref<1x1024xf32, #tpu.memory_space<vmem>> -> memref<1024xf32, #tpu.memory_space<vmem>>
        %dma_start3A_52 = arith.constant 0 : i32
        %dma_start3A_53 = tpu.memref_slice %arg4[%run_scoped3A_18, %add3A_9, %dma_start3A_52] : memref<16x1024x1024xf32, #tpu.memory_space<hbm>> -> memref<1x1x1024xf32, #tpu.memory_space<hbm>>
        %dma_start3A_54 = tpu.memref_squeeze %dma_start3A_53 : memref<1x1x1024xf32, #tpu.memory_space<hbm>> -> memref<1024xf32, #tpu.memory_space<hbm>>
        %dma_start3A_55 = arith.constant 0 : i32
        %dma_start3A_56 = tpu.memref_slice %arg4[%run_scoped3A_18, %add3A_9, %dma_start3A_55] : memref<16x1024x1024xf32, #tpu.memory_space<hbm>> -> memref<1x1x1024xf32, #tpu.memory_space<hbm>>
        %dma_start3A_57 = tpu.memref_squeeze %dma_start3A_56 : memref<1x1x1024xf32, #tpu.memory_space<hbm>> -> memref<1024xf32, #tpu.memory_space<hbm>>
        %dma_start3A_58 = arith.constant 0 : i32
        %dma_start3A_59 = tpu.memref_slice %arg7[%run_scoped3A, %dma_start3A_58] : memref<16x1024xf32, #tpu.memory_space<vmem>> -> memref<1x1024xf32, #tpu.memory_space<vmem>>
        %dma_start3A_60 = tpu.memref_squeeze %dma_start3A_59 : memref<1x1024xf32, #tpu.memory_space<vmem>> -> memref<1024xf32, #tpu.memory_space<vmem>>
        tpu.enqueue_dma source(%dma_start3A_60 : memref<1024xf32, #tpu.memory_space<vmem>>) target(%dma_start3A_57 : memref<1024xf32, #tpu.memory_space<hbm>>) target_semaphore(%run_scoped3A_49 : memref<!tpu.dma_semaphore, #tpu.memory_space<semaphore_mem>>)
        %dma_wait3A = arith.constant 0 : i32
        %dma_wait3A_61 = tpu.memref_slice %arg7[%run_scoped3A, %dma_wait3A] : memref<16x1024xf32, #tpu.memory_space<vmem>> -> memref<1x1024xf32, #tpu.memory_space<vmem>>
        %dma_wait3A_62 = tpu.memref_squeeze %dma_wait3A_61 : memref<1x1024xf32, #tpu.memory_space<vmem>> -> memref<1024xf32, #tpu.memory_space<vmem>>
        %dma_wait3A_63 = arith.constant 0 : i32
        %dma_wait3A_64 = tpu.memref_slice %arg4[%run_scoped3A_18, %add3A_9, %dma_wait3A_63] : memref<16x1024x1024xf32, #tpu.memory_space<hbm>> -> memref<1x1x1024xf32, #tpu.memory_space<hbm>>
        %dma_wait3A_65 = tpu.memref_squeeze %dma_wait3A_64 : memref<1x1x1024xf32, #tpu.memory_space<hbm>> -> memref<1024xf32, #tpu.memory_space<hbm>>
        %dma_wait3A_66 = arith.constant 0 : i32
        %dma_wait3A_67 = tpu.memref_slice %arg4[%run_scoped3A_18, %add3A_9, %dma_wait3A_66] : memref<16x1024x1024xf32, #tpu.memory_space<hbm>> -> memref<1x1x1024xf32, #tpu.memory_space<hbm>>
        %dma_wait3A_68 = tpu.memref_squeeze %dma_wait3A_67 : memref<1x1x1024xf32, #tpu.memory_space<hbm>> -> memref<1024xf32, #tpu.memory_space<hbm>>
        %dma_wait3A_69 = arith.constant 0 : i32
        %dma_wait3A_70 = tpu.memref_slice %arg7[%run_scoped3A, %dma_wait3A_69] : memref<16x1024xf32, #tpu.memory_space<vmem>> -> memref<1x1024xf32, #tpu.memory_space<vmem>>
        %dma_wait3A_71 = tpu.memref_squeeze %dma_wait3A_70 : memref<1x1024xf32, #tpu.memory_space<vmem>> -> memref<1024xf32, #tpu.memory_space<vmem>>
        tpu.wait_dma2 semaphore(%run_scoped3A_49 : memref<!tpu.dma_semaphore, #tpu.memory_space<semaphore_mem>>) src(%dma_wait3A_71 : memref<1024xf32, #tpu.memory_space<vmem>>) dst(%dma_wait3A_68 : memref<1024xf32, #tpu.memory_space<hbm>>)
        tpu.yield
      }) : () -> ()
      %run_scoped3A_19 = arith.constant 1 : i32
      %run_scoped3A_20 = arith.constant 1 : i32
      "tpu.region"() ({
        %run_scoped3A_49 = tpu.sem_alloc : memref<!tpu.dma_semaphore, #tpu.memory_space<semaphore_mem>>
        %dma_start3A = arith.constant 0 : i32
        %dma_start3A_50 = tpu.memref_slice %arg7[%run_scoped3A_19, %dma_start3A] : memref<16x1024xf32, #tpu.memory_space<vmem>> -> memref<1x1024xf32, #tpu.memory_space<vmem>>
        %dma_start3A_51 = tpu.memref_squeeze %dma_start3A_50 : memref<1x1024xf32, #tpu.memory_space<vmem>> -> memref<1024xf32, #tpu.memory_space<vmem>>
        %dma_start3A_52 = arith.constant 0 : i32
        %dma_start3A_53 = tpu.memref_slice %arg4[%run_scoped3A_20, %add3A_9, %dma_start3A_52] : memref<16x1024x1024xf32, #tpu.memory_space<hbm>> -> memref<1x1x1024xf32, #tpu.memory_space<hbm>>
        %dma_start3A_54 = tpu.memref_squeeze %dma_start3A_53 : memref<1x1x1024xf32, #tpu.memory_space<hbm>> -> memref<1024xf32, #tpu.memory_space<hbm>>
        %dma_start3A_55 = arith.constant 0 : i32
        %dma_start3A_56 = tpu.memref_slice %arg4[%run_scoped3A_20, %add3A_9, %dma_start3A_55] : memref<16x1024x1024xf32, #tpu.memory_space<hbm>> -> memref<1x1x1024xf32, #tpu.memory_space<hbm>>
        %dma_start3A_57 = tpu.memref_squeeze %dma_start3A_56 : memref<1x1x1024xf32, #tpu.memory_space<hbm>> -> memref<1024xf32, #tpu.memory_space<hbm>>
        %dma_start3A_58 = arith.constant 0 : i32
        %dma_start3A_59 = tpu.memref_slice %arg7[%run_scoped3A_19, %dma_start3A_58] : memref<16x1024xf32, #tpu.memory_space<vmem>> -> memref<1x1024xf32, #tpu.memory_space<vmem>>
        %dma_start3A_60 = tpu.memref_squeeze %dma_start3A_59 : memref<1x1024xf32, #tpu.memory_space<vmem>> -> memref<1024xf32, #tpu.memory_space<vmem>>
        tpu.enqueue_dma source(%dma_start3A_60 : memref<1024xf32, #tpu.memory_space<vmem>>) target(%dma_start3A_57 : memref<1024xf32, #tpu.memory_space<hbm>>) target_semaphore(%run_scoped3A_49 : memref<!tpu.dma_semaphore, #tpu.memory_space<semaphore_mem>>)
        %dma_wait3A = arith.constant 0 : i32
        %dma_wait3A_61 = tpu.memref_slice %arg7[%run_scoped3A_19, %dma_wait3A] : memref<16x1024xf32, #tpu.memory_space<vmem>> -> memref<1x1024xf32, #tpu.memory_space<vmem>>
        %dma_wait3A_62 = tpu.memref_squeeze %dma_wait3A_61 : memref<1x1024xf32, #tpu.memory_space<vmem>> -> memref<1024xf32, #tpu.memory_space<vmem>>
        %dma_wait3A_63 = arith.constant 0 : i32
        %dma_wait3A_64 = tpu.memref_slice %arg4[%run_scoped3A_20, %add3A_9, %dma_wait3A_63] : memref<16x1024x1024xf32, #tpu.memory_space<hbm>> -> memref<1x1x1024xf32, #tpu.memory_space<hbm>>
        %dma_wait3A_65 = tpu.memref_squeeze %dma_wait3A_64 : memref<1x1x1024xf32, #tpu.memory_space<hbm>> -> memref<1024xf32, #tpu.memory_space<hbm>>
        %dma_wait3A_66 = arith.constant 0 : i32
        %dma_wait3A_67 = tpu.memref_slice %arg4[%run_scoped3A_20, %add3A_9, %dma_wait3A_66] : memref<16x1024x1024xf32, #tpu.memory_space<hbm>> -> memref<1x1x1024xf32, #tpu.memory_space<hbm>>
        %dma_wait3A_68 = tpu.memref_squeeze %dma_wait3A_67 : memref<1x1x1024xf32, #tpu.memory_space<hbm>> -> memref<1024xf32, #tpu.memory_space<hbm>>
        %dma_wait3A_69 = arith.constant 0 : i32
        %dma_wait3A_70 = tpu.memref_slice %arg7[%run_scoped3A_19, %dma_wait3A_69] : memref<16x1024xf32, #tpu.memory_space<vmem>> -> memref<1x1024xf32, #tpu.memory_space<vmem>>
        %dma_wait3A_71 = tpu.memref_squeeze %dma_wait3A_70 : memref<1x1024xf32, #tpu.memory_space<vmem>> -> memref<1024xf32, #tpu.memory_space<vmem>>
        tpu.wait_dma2 semaphore(%run_scoped3A_49 : memref<!tpu.dma_semaphore, #tpu.memory_space<semaphore_mem>>) src(%dma_wait3A_71 : memref<1024xf32, #tpu.memory_space<vmem>>) dst(%dma_wait3A_68 : memref<1024xf32, #tpu.memory_space<hbm>>)
        tpu.yield
      }) : () -> ()
      %run_scoped3A_21 = arith.constant 2 : i32
      %run_scoped3A_22 = arith.constant 2 : i32
      "tpu.region"() ({
        %run_scoped3A_49 = tpu.sem_alloc : memref<!tpu.dma_semaphore, #tpu.memory_space<semaphore_mem>>
        %dma_start3A = arith.constant 0 : i32
        %dma_start3A_50 = tpu.memref_slice %arg7[%run_scoped3A_21, %dma_start3A] : memref<16x1024xf32, #tpu.memory_space<vmem>> -> memref<1x1024xf32, #tpu.memory_space<vmem>>
        %dma_start3A_51 = tpu.memref_squeeze %dma_start3A_50 : memref<1x1024xf32, #tpu.memory_space<vmem>> -> memref<1024xf32, #tpu.memory_space<vmem>>
        %dma_start3A_52 = arith.constant 0 : i32
        %dma_start3A_53 = tpu.memref_slice %arg4[%run_scoped3A_22, %add3A_9, %dma_start3A_52] : memref<16x1024x1024xf32, #tpu.memory_space<hbm>> -> memref<1x1x1024xf32, #tpu.memory_space<hbm>>
        %dma_start3A_54 = tpu.memref_squeeze %dma_start3A_53 : memref<1x1x1024xf32, #tpu.memory_space<hbm>> -> memref<1024xf32, #tpu.memory_space<hbm>>
        %dma_start3A_55 = arith.constant 0 : i32
        %dma_start3A_56 = tpu.memref_slice %arg4[%run_scoped3A_22, %add3A_9, %dma_start3A_55] : memref<16x1024x1024xf32, #tpu.memory_space<hbm>> -> memref<1x1x1024xf32, #tpu.memory_space<hbm>>
        %dma_start3A_57 = tpu.memref_squeeze %dma_start3A_56 : memref<1x1x1024xf32, #tpu.memory_space<hbm>> -> memref<1024xf32, #tpu.memory_space<hbm>>
        %dma_start3A_58 = arith.constant 0 : i32
        %dma_start3A_59 = tpu.memref_slice %arg7[%run_scoped3A_21, %dma_start3A_58] : memref<16x1024xf32, #tpu.memory_space<vmem>> -> memref<1x1024xf32, #tpu.memory_space<vmem>>
        %dma_start3A_60 = tpu.memref_squeeze %dma_start3A_59 : memref<1x1024xf32, #tpu.memory_space<vmem>> -> memref<1024xf32, #tpu.memory_space<vmem>>
        tpu.enqueue_dma source(%dma_start3A_60 : memref<1024xf32, #tpu.memory_space<vmem>>) target(%dma_start3A_57 : memref<1024xf32, #tpu.memory_space<hbm>>) target_semaphore(%run_scoped3A_49 : memref<!tpu.dma_semaphore, #tpu.memory_space<semaphore_mem>>)
        %dma_wait3A = arith.constant 0 : i32
        %dma_wait3A_61 = tpu.memref_slice %arg7[%run_scoped3A_21, %dma_wait3A] : memref<16x1024xf32, #tpu.memory_space<vmem>> -> memref<1x1024xf32, #tpu.memory_space<vmem>>
        %dma_wait3A_62 = tpu.memref_squeeze %dma_wait3A_61 : memref<1x1024xf32, #tpu.memory_space<vmem>> -> memref<1024xf32, #tpu.memory_space<vmem>>
        %dma_wait3A_63 = arith.constant 0 : i32
        %dma_wait3A_64 = tpu.memref_slice %arg4[%run_scoped3A_22, %add3A_9, %dma_wait3A_63] : memref<16x1024x1024xf32, #tpu.memory_space<hbm>> -> memref<1x1x1024xf32, #tpu.memory_space<hbm>>
        %dma_wait3A_65 = tpu.memref_squeeze %dma_wait3A_64 : memref<1x1x1024xf32, #tpu.memory_space<hbm>> -> memref<1024xf32, #tpu.memory_space<hbm>>
        %dma_wait3A_66 = arith.constant 0 : i32
        %dma_wait3A_67 = tpu.memref_slice %arg4[%run_scoped3A_22, %add3A_9, %dma_wait3A_66] : memref<16x1024x1024xf32, #tpu.memory_space<hbm>> -> memref<1x1x1024xf32, #tpu.memory_space<hbm>>
        %dma_wait3A_68 = tpu.memref_squeeze %dma_wait3A_67 : memref<1x1x1024xf32, #tpu.memory_space<hbm>> -> memref<1024xf32, #tpu.memory_space<hbm>>
        %dma_wait3A_69 = arith.constant 0 : i32
        %dma_wait3A_70 = tpu.memref_slice %arg7[%run_scoped3A_21, %dma_wait3A_69] : memref<16x1024xf32, #tpu.memory_space<vmem>> -> memref<1x1024xf32, #tpu.memory_space<vmem>>
        %dma_wait3A_71 = tpu.memref_squeeze %dma_wait3A_70 : memref<1x1024xf32, #tpu.memory_space<vmem>> -> memref<1024xf32, #tpu.memory_space<vmem>>
        tpu.wait_dma2 semaphore(%run_scoped3A_49 : memref<!tpu.dma_semaphore, #tpu.memory_space<semaphore_mem>>) src(%dma_wait3A_71 : memref<1024xf32, #tpu.memory_space<vmem>>) dst(%dma_wait3A_68 : memref<1024xf32, #tpu.memory_space<hbm>>)
        tpu.yield
      }) : () -> ()
      %run_scoped3A_23 = arith.constant 3 : i32
      %run_scoped3A_24 = arith.constant 3 : i32
      "tpu.region"() ({
        %run_scoped3A_49 = tpu.sem_alloc : memref<!tpu.dma_semaphore, #tpu.memory_space<semaphore_mem>>
        %dma_start3A = arith.constant 0 : i32
        %dma_start3A_50 = tpu.memref_slice %arg7[%run_scoped3A_23, %dma_start3A] : memref<16x1024xf32, #tpu.memory_space<vmem>> -> memref<1x1024xf32, #tpu.memory_space<vmem>>
        %dma_start3A_51 = tpu.memref_squeeze %dma_start3A_50 : memref<1x1024xf32, #tpu.memory_space<vmem>> -> memref<1024xf32, #tpu.memory_space<vmem>>
        %dma_start3A_52 = arith.constant 0 : i32
        %dma_start3A_53 = tpu.memref_slice %arg4[%run_scoped3A_24, %add3A_9, %dma_start3A_52] : memref<16x1024x1024xf32, #tpu.memory_space<hbm>> -> memref<1x1x1024xf32, #tpu.memory_space<hbm>>
        %dma_start3A_54 = tpu.memref_squeeze %dma_start3A_53 : memref<1x1x1024xf32, #tpu.memory_space<hbm>> -> memref<1024xf32, #tpu.memory_space<hbm>>
        %dma_start3A_55 = arith.constant 0 : i32
        %dma_start3A_56 = tpu.memref_slice %arg4[%run_scoped3A_24, %add3A_9, %dma_start3A_55] : memref<16x1024x1024xf32, #tpu.memory_space<hbm>> -> memref<1x1x1024xf32, #tpu.memory_space<hbm>>
        %dma_start3A_57 = tpu.memref_squeeze %dma_start3A_56 : memref<1x1x1024xf32, #tpu.memory_space<hbm>> -> memref<1024xf32, #tpu.memory_space<hbm>>
        %dma_start3A_58 = arith.constant 0 : i32
        %dma_start3A_59 = tpu.memref_slice %arg7[%run_scoped3A_23, %dma_start3A_58] : memref<16x1024xf32, #tpu.memory_space<vmem>> -> memref<1x1024xf32, #tpu.memory_space<vmem>>
        %dma_start3A_60 = tpu.memref_squeeze %dma_start3A_59 : memref<1x1024xf32, #tpu.memory_space<vmem>> -> memref<1024xf32, #tpu.memory_space<vmem>>
        tpu.enqueue_dma source(%dma_start3A_60 : memref<1024xf32, #tpu.memory_space<vmem>>) target(%dma_start3A_57 : memref<1024xf32, #tpu.memory_space<hbm>>) target_semaphore(%run_scoped3A_49 : memref<!tpu.dma_semaphore, #tpu.memory_space<semaphore_mem>>)
        %dma_wait3A = arith.constant 0 : i32
        %dma_wait3A_61 = tpu.memref_slice %arg7[%run_scoped3A_23, %dma_wait3A] : memref<16x1024xf32, #tpu.memory_space<vmem>> -> memref<1x1024xf32, #tpu.memory_space<vmem>>
        %dma_wait3A_62 = tpu.memref_squeeze %dma_wait3A_61 : memref<1x1024xf32, #tpu.memory_space<vmem>> -> memref<1024xf32, #tpu.memory_space<vmem>>
        %dma_wait3A_63 = arith.constant 0 : i32
        %dma_wait3A_64 = tpu.memref_slice %arg4[%run_scoped3A_24, %add3A_9, %dma_wait3A_63] : memref<16x1024x1024xf32, #tpu.memory_space<hbm>> -> memref<1x1x1024xf32, #tpu.memory_space<hbm>>
        %dma_wait3A_65 = tpu.memref_squeeze %dma_wait3A_64 : memref<1x1x1024xf32, #tpu.memory_space<hbm>> -> memref<1024xf32, #tpu.memory_space<hbm>>
        %dma_wait3A_66 = arith.constant 0 : i32
        %dma_wait3A_67 = tpu.memref_slice %arg4[%run_scoped3A_24, %add3A_9, %dma_wait3A_66] : memref<16x1024x1024xf32, #tpu.memory_space<hbm>> -> memref<1x1x1024xf32, #tpu.memory_space<hbm>>
        %dma_wait3A_68 = tpu.memref_squeeze %dma_wait3A_67 : memref<1x1x1024xf32, #tpu.memory_space<hbm>> -> memref<1024xf32, #tpu.memory_space<hbm>>
        %dma_wait3A_69 = arith.constant 0 : i32
        %dma_wait3A_70 = tpu.memref_slice %arg7[%run_scoped3A_23, %dma_wait3A_69] : memref<16x1024xf32, #tpu.memory_space<vmem>> -> memref<1x1024xf32, #tpu.memory_space<vmem>>
        %dma_wait3A_71 = tpu.memref_squeeze %dma_wait3A_70 : memref<1x1024xf32, #tpu.memory_space<vmem>> -> memref<1024xf32, #tpu.memory_space<vmem>>
        tpu.wait_dma2 semaphore(%run_scoped3A_49 : memref<!tpu.dma_semaphore, #tpu.memory_space<semaphore_mem>>) src(%dma_wait3A_71 : memref<1024xf32, #tpu.memory_space<vmem>>) dst(%dma_wait3A_68 : memref<1024xf32, #tpu.memory_space<hbm>>)
        tpu.yield
      }) : () -> ()
      %run_scoped3A_25 = arith.constant 4 : i32
      %run_scoped3A_26 = arith.constant 4 : i32
      "tpu.region"() ({
        %run_scoped3A_49 = tpu.sem_alloc : memref<!tpu.dma_semaphore, #tpu.memory_space<semaphore_mem>>
        %dma_start3A = arith.constant 0 : i32
        %dma_start3A_50 = tpu.memref_slice %arg7[%run_scoped3A_25, %dma_start3A] : memref<16x1024xf32, #tpu.memory_space<vmem>> -> memref<1x1024xf32, #tpu.memory_space<vmem>>
        %dma_start3A_51 = tpu.memref_squeeze %dma_start3A_50 : memref<1x1024xf32, #tpu.memory_space<vmem>> -> memref<1024xf32, #tpu.memory_space<vmem>>
        %dma_start3A_52 = arith.constant 0 : i32
        %dma_start3A_53 = tpu.memref_slice %arg4[%run_scoped3A_26, %add3A_9, %dma_start3A_52] : memref<16x1024x1024xf32, #tpu.memory_space<hbm>> -> memref<1x1x1024xf32, #tpu.memory_space<hbm>>
        %dma_start3A_54 = tpu.memref_squeeze %dma_start3A_53 : memref<1x1x1024xf32, #tpu.memory_space<hbm>> -> memref<1024xf32, #tpu.memory_space<hbm>>
        %dma_start3A_55 = arith.constant 0 : i32
        %dma_start3A_56 = tpu.memref_slice %arg4[%run_scoped3A_26, %add3A_9, %dma_start3A_55] : memref<16x1024x1024xf32, #tpu.memory_space<hbm>> -> memref<1x1x1024xf32, #tpu.memory_space<hbm>>
        %dma_start3A_57 = tpu.memref_squeeze %dma_start3A_56 : memref<1x1x1024xf32, #tpu.memory_space<hbm>> -> memref<1024xf32, #tpu.memory_space<hbm>>
        %dma_start3A_58 = arith.constant 0 : i32
        %dma_start3A_59 = tpu.memref_slice %arg7[%run_scoped3A_25, %dma_start3A_58] : memref<16x1024xf32, #tpu.memory_space<vmem>> -> memref<1x1024xf32, #tpu.memory_space<vmem>>
        %dma_start3A_60 = tpu.memref_squeeze %dma_start3A_59 : memref<1x1024xf32, #tpu.memory_space<vmem>> -> memref<1024xf32, #tpu.memory_space<vmem>>
        tpu.enqueue_dma source(%dma_start3A_60 : memref<1024xf32, #tpu.memory_space<vmem>>) target(%dma_start3A_57 : memref<1024xf32, #tpu.memory_space<hbm>>) target_semaphore(%run_scoped3A_49 : memref<!tpu.dma_semaphore, #tpu.memory_space<semaphore_mem>>)
        %dma_wait3A = arith.constant 0 : i32
        %dma_wait3A_61 = tpu.memref_slice %arg7[%run_scoped3A_25, %dma_wait3A] : memref<16x1024xf32, #tpu.memory_space<vmem>> -> memref<1x1024xf32, #tpu.memory_space<vmem>>
        %dma_wait3A_62 = tpu.memref_squeeze %dma_wait3A_61 : memref<1x1024xf32, #tpu.memory_space<vmem>> -> memref<1024xf32, #tpu.memory_space<vmem>>
        %dma_wait3A_63 = arith.constant 0 : i32
        %dma_wait3A_64 = tpu.memref_slice %arg4[%run_scoped3A_26, %add3A_9, %dma_wait3A_63] : memref<16x1024x1024xf32, #tpu.memory_space<hbm>> -> memref<1x1x1024xf32, #tpu.memory_space<hbm>>
        %dma_wait3A_65 = tpu.memref_squeeze %dma_wait3A_64 : memref<1x1x1024xf32, #tpu.memory_space<hbm>> -> memref<1024xf32, #tpu.memory_space<hbm>>
        %dma_wait3A_66 = arith.constant 0 : i32
        %dma_wait3A_67 = tpu.memref_slice %arg4[%run_scoped3A_26, %add3A_9, %dma_wait3A_66] : memref<16x1024x1024xf32, #tpu.memory_space<hbm>> -> memref<1x1x1024xf32, #tpu.memory_space<hbm>>
        %dma_wait3A_68 = tpu.memref_squeeze %dma_wait3A_67 : memref<1x1x1024xf32, #tpu.memory_space<hbm>> -> memref<1024xf32, #tpu.memory_space<hbm>>
        %dma_wait3A_69 = arith.constant 0 : i32
        %dma_wait3A_70 = tpu.memref_slice %arg7[%run_scoped3A_25, %dma_wait3A_69] : memref<16x1024xf32, #tpu.memory_space<vmem>> -> memref<1x1024xf32, #tpu.memory_space<vmem>>
        %dma_wait3A_71 = tpu.memref_squeeze %dma_wait3A_70 : memref<1x1024xf32, #tpu.memory_space<vmem>> -> memref<1024xf32, #tpu.memory_space<vmem>>
        tpu.wait_dma2 semaphore(%run_scoped3A_49 : memref<!tpu.dma_semaphore, #tpu.memory_space<semaphore_mem>>) src(%dma_wait3A_71 : memref<1024xf32, #tpu.memory_space<vmem>>) dst(%dma_wait3A_68 : memref<1024xf32, #tpu.memory_space<hbm>>)
        tpu.yield
      }) : () -> ()
      %run_scoped3A_27 = arith.constant 5 : i32
      %run_scoped3A_28 = arith.constant 5 : i32
      "tpu.region"() ({
        %run_scoped3A_49 = tpu.sem_alloc : memref<!tpu.dma_semaphore, #tpu.memory_space<semaphore_mem>>
        %dma_start3A = arith.constant 0 : i32
        %dma_start3A_50 = tpu.memref_slice %arg7[%run_scoped3A_27, %dma_start3A] : memref<16x1024xf32, #tpu.memory_space<vmem>> -> memref<1x1024xf32, #tpu.memory_space<vmem>>
        %dma_start3A_51 = tpu.memref_squeeze %dma_start3A_50 : memref<1x1024xf32, #tpu.memory_space<vmem>> -> memref<1024xf32, #tpu.memory_space<vmem>>
        %dma_start3A_52 = arith.constant 0 : i32
        %dma_start3A_53 = tpu.memref_slice %arg4[%run_scoped3A_28, %add3A_9, %dma_start3A_52] : memref<16x1024x1024xf32, #tpu.memory_space<hbm>> -> memref<1x1x1024xf32, #tpu.memory_space<hbm>>
        %dma_start3A_54 = tpu.memref_squeeze %dma_start3A_53 : memref<1x1x1024xf32, #tpu.memory_space<hbm>> -> memref<1024xf32, #tpu.memory_space<hbm>>
        %dma_start3A_55 = arith.constant 0 : i32
        %dma_start3A_56 = tpu.memref_slice %arg4[%run_scoped3A_28, %add3A_9, %dma_start3A_55] : memref<16x1024x1024xf32, #tpu.memory_space<hbm>> -> memref<1x1x1024xf32, #tpu.memory_space<hbm>>
        %dma_start3A_57 = tpu.memref_squeeze %dma_start3A_56 : memref<1x1x1024xf32, #tpu.memory_space<hbm>> -> memref<1024xf32, #tpu.memory_space<hbm>>
        %dma_start3A_58 = arith.constant 0 : i32
        %dma_start3A_59 = tpu.memref_slice %arg7[%run_scoped3A_27, %dma_start3A_58] : memref<16x1024xf32, #tpu.memory_space<vmem>> -> memref<1x1024xf32, #tpu.memory_space<vmem>>
        %dma_start3A_60 = tpu.memref_squeeze %dma_start3A_59 : memref<1x1024xf32, #tpu.memory_space<vmem>> -> memref<1024xf32, #tpu.memory_space<vmem>>
        tpu.enqueue_dma source(%dma_start3A_60 : memref<1024xf32, #tpu.memory_space<vmem>>) target(%dma_start3A_57 : memref<1024xf32, #tpu.memory_space<hbm>>) target_semaphore(%run_scoped3A_49 : memref<!tpu.dma_semaphore, #tpu.memory_space<semaphore_mem>>)
        %dma_wait3A = arith.constant 0 : i32
        %dma_wait3A_61 = tpu.memref_slice %arg7[%run_scoped3A_27, %dma_wait3A] : memref<16x1024xf32, #tpu.memory_space<vmem>> -> memref<1x1024xf32, #tpu.memory_space<vmem>>
        %dma_wait3A_62 = tpu.memref_squeeze %dma_wait3A_61 : memref<1x1024xf32, #tpu.memory_space<vmem>> -> memref<1024xf32, #tpu.memory_space<vmem>>
        %dma_wait3A_63 = arith.constant 0 : i32
        %dma_wait3A_64 = tpu.memref_slice %arg4[%run_scoped3A_28, %add3A_9, %dma_wait3A_63] : memref<16x1024x1024xf32, #tpu.memory_space<hbm>> -> memref<1x1x1024xf32, #tpu.memory_space<hbm>>
        %dma_wait3A_65 = tpu.memref_squeeze %dma_wait3A_64 : memref<1x1x1024xf32, #tpu.memory_space<hbm>> -> memref<1024xf32, #tpu.memory_space<hbm>>
        %dma_wait3A_66 = arith.constant 0 : i32
        %dma_wait3A_67 = tpu.memref_slice %arg4[%run_scoped3A_28, %add3A_9, %dma_wait3A_66] : memref<16x1024x1024xf32, #tpu.memory_space<hbm>> -> memref<1x1x1024xf32, #tpu.memory_space<hbm>>
        %dma_wait3A_68 = tpu.memref_squeeze %dma_wait3A_67 : memref<1x1x1024xf32, #tpu.memory_space<hbm>> -> memref<1024xf32, #tpu.memory_space<hbm>>
        %dma_wait3A_69 = arith.constant 0 : i32
        %dma_wait3A_70 = tpu.memref_slice %arg7[%run_scoped3A_27, %dma_wait3A_69] : memref<16x1024xf32, #tpu.memory_space<vmem>> -> memref<1x1024xf32, #tpu.memory_space<vmem>>
        %dma_wait3A_71 = tpu.memref_squeeze %dma_wait3A_70 : memref<1x1024xf32, #tpu.memory_space<vmem>> -> memref<1024xf32, #tpu.memory_space<vmem>>
        tpu.wait_dma2 semaphore(%run_scoped3A_49 : memref<!tpu.dma_semaphore, #tpu.memory_space<semaphore_mem>>) src(%dma_wait3A_71 : memref<1024xf32, #tpu.memory_space<vmem>>) dst(%dma_wait3A_68 : memref<1024xf32, #tpu.memory_space<hbm>>)
        tpu.yield
      }) : () -> ()
      %run_scoped3A_29 = arith.constant 6 : i32
      %run_scoped3A_30 = arith.constant 6 : i32
      "tpu.region"() ({
        %run_scoped3A_49 = tpu.sem_alloc : memref<!tpu.dma_semaphore, #tpu.memory_space<semaphore_mem>>
        %dma_start3A = arith.constant 0 : i32
        %dma_start3A_50 = tpu.memref_slice %arg7[%run_scoped3A_29, %dma_start3A] : memref<16x1024xf32, #tpu.memory_space<vmem>> -> memref<1x1024xf32, #tpu.memory_space<vmem>>
        %dma_start3A_51 = tpu.memref_squeeze %dma_start3A_50 : memref<1x1024xf32, #tpu.memory_space<vmem>> -> memref<1024xf32, #tpu.memory_space<vmem>>
        %dma_start3A_52 = arith.constant 0 : i32
        %dma_start3A_53 = tpu.memref_slice %arg4[%run_scoped3A_30, %add3A_9, %dma_start3A_52] : memref<16x1024x1024xf32, #tpu.memory_space<hbm>> -> memref<1x1x1024xf32, #tpu.memory_space<hbm>>
        %dma_start3A_54 = tpu.memref_squeeze %dma_start3A_53 : memref<1x1x1024xf32, #tpu.memory_space<hbm>> -> memref<1024xf32, #tpu.memory_space<hbm>>
        %dma_start3A_55 = arith.constant 0 : i32
        %dma_start3A_56 = tpu.memref_slice %arg4[%run_scoped3A_30, %add3A_9, %dma_start3A_55] : memref<16x1024x1024xf32, #tpu.memory_space<hbm>> -> memref<1x1x1024xf32, #tpu.memory_space<hbm>>
        %dma_start3A_57 = tpu.memref_squeeze %dma_start3A_56 : memref<1x1x1024xf32, #tpu.memory_space<hbm>> -> memref<1024xf32, #tpu.memory_space<hbm>>
        %dma_start3A_58 = arith.constant 0 : i32
        %dma_start3A_59 = tpu.memref_slice %arg7[%run_scoped3A_29, %dma_start3A_58] : memref<16x1024xf32, #tpu.memory_space<vmem>> -> memref<1x1024xf32, #tpu.memory_space<vmem>>
        %dma_start3A_60 = tpu.memref_squeeze %dma_start3A_59 : memref<1x1024xf32, #tpu.memory_space<vmem>> -> memref<1024xf32, #tpu.memory_space<vmem>>
        tpu.enqueue_dma source(%dma_start3A_60 : memref<1024xf32, #tpu.memory_space<vmem>>) target(%dma_start3A_57 : memref<1024xf32, #tpu.memory_space<hbm>>) target_semaphore(%run_scoped3A_49 : memref<!tpu.dma_semaphore, #tpu.memory_space<semaphore_mem>>)
        %dma_wait3A = arith.constant 0 : i32
        %dma_wait3A_61 = tpu.memref_slice %arg7[%run_scoped3A_29, %dma_wait3A] : memref<16x1024xf32, #tpu.memory_space<vmem>> -> memref<1x1024xf32, #tpu.memory_space<vmem>>
        %dma_wait3A_62 = tpu.memref_squeeze %dma_wait3A_61 : memref<1x1024xf32, #tpu.memory_space<vmem>> -> memref<1024xf32, #tpu.memory_space<vmem>>
        %dma_wait3A_63 = arith.constant 0 : i32
        %dma_wait3A_64 = tpu.memref_slice %arg4[%run_scoped3A_30, %add3A_9, %dma_wait3A_63] : memref<16x1024x1024xf32, #tpu.memory_space<hbm>> -> memref<1x1x1024xf32, #tpu.memory_space<hbm>>
        %dma_wait3A_65 = tpu.memref_squeeze %dma_wait3A_64 : memref<1x1x1024xf32, #tpu.memory_space<hbm>> -> memref<1024xf32, #tpu.memory_space<hbm>>
        %dma_wait3A_66 = arith.constant 0 : i32
        %dma_wait3A_67 = tpu.memref_slice %arg4[%run_scoped3A_30, %add3A_9, %dma_wait3A_66] : memref<16x1024x1024xf32, #tpu.memory_space<hbm>> -> memref<1x1x1024xf32, #tpu.memory_space<hbm>>
        %dma_wait3A_68 = tpu.memref_squeeze %dma_wait3A_67 : memref<1x1x1024xf32, #tpu.memory_space<hbm>> -> memref<1024xf32, #tpu.memory_space<hbm>>
        %dma_wait3A_69 = arith.constant 0 : i32
        %dma_wait3A_70 = tpu.memref_slice %arg7[%run_scoped3A_29, %dma_wait3A_69] : memref<16x1024xf32, #tpu.memory_space<vmem>> -> memref<1x1024xf32, #tpu.memory_space<vmem>>
        %dma_wait3A_71 = tpu.memref_squeeze %dma_wait3A_70 : memref<1x1024xf32, #tpu.memory_space<vmem>> -> memref<1024xf32, #tpu.memory_space<vmem>>
        tpu.wait_dma2 semaphore(%run_scoped3A_49 : memref<!tpu.dma_semaphore, #tpu.memory_space<semaphore_mem>>) src(%dma_wait3A_71 : memref<1024xf32, #tpu.memory_space<vmem>>) dst(%dma_wait3A_68 : memref<1024xf32, #tpu.memory_space<hbm>>)
        tpu.yield
      }) : () -> ()
      %run_scoped3A_31 = arith.constant 7 : i32
      %run_scoped3A_32 = arith.constant 7 : i32
      "tpu.region"() ({
        %run_scoped3A_49 = tpu.sem_alloc : memref<!tpu.dma_semaphore, #tpu.memory_space<semaphore_mem>>
        %dma_start3A = arith.constant 0 : i32
        %dma_start3A_50 = tpu.memref_slice %arg7[%run_scoped3A_31, %dma_start3A] : memref<16x1024xf32, #tpu.memory_space<vmem>> -> memref<1x1024xf32, #tpu.memory_space<vmem>>
        %dma_start3A_51 = tpu.memref_squeeze %dma_start3A_50 : memref<1x1024xf32, #tpu.memory_space<vmem>> -> memref<1024xf32, #tpu.memory_space<vmem>>
        %dma_start3A_52 = arith.constant 0 : i32
        %dma_start3A_53 = tpu.memref_slice %arg4[%run_scoped3A_32, %add3A_9, %dma_start3A_52] : memref<16x1024x1024xf32, #tpu.memory_space<hbm>> -> memref<1x1x1024xf32, #tpu.memory_space<hbm>>
        %dma_start3A_54 = tpu.memref_squeeze %dma_start3A_53 : memref<1x1x1024xf32, #tpu.memory_space<hbm>> -> memref<1024xf32, #tpu.memory_space<hbm>>
        %dma_start3A_55 = arith.constant 0 : i32
        %dma_start3A_56 = tpu.memref_slice %arg4[%run_scoped3A_32, %add3A_9, %dma_start3A_55] : memref<16x1024x1024xf32, #tpu.memory_space<hbm>> -> memref<1x1x1024xf32, #tpu.memory_space<hbm>>
        %dma_start3A_57 = tpu.memref_squeeze %dma_start3A_56 : memref<1x1x1024xf32, #tpu.memory_space<hbm>> -> memref<1024xf32, #tpu.memory_space<hbm>>
        %dma_start3A_58 = arith.constant 0 : i32
        %dma_start3A_59 = tpu.memref_slice %arg7[%run_scoped3A_31, %dma_start3A_58] : memref<16x1024xf32, #tpu.memory_space<vmem>> -> memref<1x1024xf32, #tpu.memory_space<vmem>>
        %dma_start3A_60 = tpu.memref_squeeze %dma_start3A_59 : memref<1x1024xf32, #tpu.memory_space<vmem>> -> memref<1024xf32, #tpu.memory_space<vmem>>
        tpu.enqueue_dma source(%dma_start3A_60 : memref<1024xf32, #tpu.memory_space<vmem>>) target(%dma_start3A_57 : memref<1024xf32, #tpu.memory_space<hbm>>) target_semaphore(%run_scoped3A_49 : memref<!tpu.dma_semaphore, #tpu.memory_space<semaphore_mem>>)
        %dma_wait3A = arith.constant 0 : i32
        %dma_wait3A_61 = tpu.memref_slice %arg7[%run_scoped3A_31, %dma_wait3A] : memref<16x1024xf32, #tpu.memory_space<vmem>> -> memref<1x1024xf32, #tpu.memory_space<vmem>>
        %dma_wait3A_62 = tpu.memref_squeeze %dma_wait3A_61 : memref<1x1024xf32, #tpu.memory_space<vmem>> -> memref<1024xf32, #tpu.memory_space<vmem>>
        %dma_wait3A_63 = arith.constant 0 : i32
        %dma_wait3A_64 = tpu.memref_slice %arg4[%run_scoped3A_32, %add3A_9, %dma_wait3A_63] : memref<16x1024x1024xf32, #tpu.memory_space<hbm>> -> memref<1x1x1024xf32, #tpu.memory_space<hbm>>
        %dma_wait3A_65 = tpu.memref_squeeze %dma_wait3A_64 : memref<1x1x1024xf32, #tpu.memory_space<hbm>> -> memref<1024xf32, #tpu.memory_space<hbm>>
        %dma_wait3A_66 = arith.constant 0 : i32
        %dma_wait3A_67 = tpu.memref_slice %arg4[%run_scoped3A_32, %add3A_9, %dma_wait3A_66] : memref<16x1024x1024xf32, #tpu.memory_space<hbm>> -> memref<1x1x1024xf32, #tpu.memory_space<hbm>>
        %dma_wait3A_68 = tpu.memref_squeeze %dma_wait3A_67 : memref<1x1x1024xf32, #tpu.memory_space<hbm>> -> memref<1024xf32, #tpu.memory_space<hbm>>
        %dma_wait3A_69 = arith.constant 0 : i32
        %dma_wait3A_70 = tpu.memref_slice %arg7[%run_scoped3A_31, %dma_wait3A_69] : memref<16x1024xf32, #tpu.memory_space<vmem>> -> memref<1x1024xf32, #tpu.memory_space<vmem>>
        %dma_wait3A_71 = tpu.memref_squeeze %dma_wait3A_70 : memref<1x1024xf32, #tpu.memory_space<vmem>> -> memref<1024xf32, #tpu.memory_space<vmem>>
        tpu.wait_dma2 semaphore(%run_scoped3A_49 : memref<!tpu.dma_semaphore, #tpu.memory_space<semaphore_mem>>) src(%dma_wait3A_71 : memref<1024xf32, #tpu.memory_space<vmem>>) dst(%dma_wait3A_68 : memref<1024xf32, #tpu.memory_space<hbm>>)
        tpu.yield
      }) : () -> ()
      %run_scoped3A_33 = arith.constant 8 : i32
      %run_scoped3A_34 = arith.constant 8 : i32
      "tpu.region"() ({
        %run_scoped3A_49 = tpu.sem_alloc : memref<!tpu.dma_semaphore, #tpu.memory_space<semaphore_mem>>
        %dma_start3A = arith.constant 0 : i32
        %dma_start3A_50 = tpu.memref_slice %arg7[%run_scoped3A_33, %dma_start3A] : memref<16x1024xf32, #tpu.memory_space<vmem>> -> memref<1x1024xf32, #tpu.memory_space<vmem>>
        %dma_start3A_51 = tpu.memref_squeeze %dma_start3A_50 : memref<1x1024xf32, #tpu.memory_space<vmem>> -> memref<1024xf32, #tpu.memory_space<vmem>>
        %dma_start3A_52 = arith.constant 0 : i32
        %dma_start3A_53 = tpu.memref_slice %arg4[%run_scoped3A_34, %add3A_9, %dma_start3A_52] : memref<16x1024x1024xf32, #tpu.memory_space<hbm>> -> memref<1x1x1024xf32, #tpu.memory_space<hbm>>
        %dma_start3A_54 = tpu.memref_squeeze %dma_start3A_53 : memref<1x1x1024xf32, #tpu.memory_space<hbm>> -> memref<1024xf32, #tpu.memory_space<hbm>>
        %dma_start3A_55 = arith.constant 0 : i32
        %dma_start3A_56 = tpu.memref_slice %arg4[%run_scoped3A_34, %add3A_9, %dma_start3A_55] : memref<16x1024x1024xf32, #tpu.memory_space<hbm>> -> memref<1x1x1024xf32, #tpu.memory_space<hbm>>
        %dma_start3A_57 = tpu.memref_squeeze %dma_start3A_56 : memref<1x1x1024xf32, #tpu.memory_space<hbm>> -> memref<1024xf32, #tpu.memory_space<hbm>>
        %dma_start3A_58 = arith.constant 0 : i32
        %dma_start3A_59 = tpu.memref_slice %arg7[%run_scoped3A_33, %dma_start3A_58] : memref<16x1024xf32, #tpu.memory_space<vmem>> -> memref<1x1024xf32, #tpu.memory_space<vmem>>
        %dma_start3A_60 = tpu.memref_squeeze %dma_start3A_59 : memref<1x1024xf32, #tpu.memory_space<vmem>> -> memref<1024xf32, #tpu.memory_space<vmem>>
        tpu.enqueue_dma source(%dma_start3A_60 : memref<1024xf32, #tpu.memory_space<vmem>>) target(%dma_start3A_57 : memref<1024xf32, #tpu.memory_space<hbm>>) target_semaphore(%run_scoped3A_49 : memref<!tpu.dma_semaphore, #tpu.memory_space<semaphore_mem>>)
        %dma_wait3A = arith.constant 0 : i32
        %dma_wait3A_61 = tpu.memref_slice %arg7[%run_scoped3A_33, %dma_wait3A] : memref<16x1024xf32, #tpu.memory_space<vmem>> -> memref<1x1024xf32, #tpu.memory_space<vmem>>
        %dma_wait3A_62 = tpu.memref_squeeze %dma_wait3A_61 : memref<1x1024xf32, #tpu.memory_space<vmem>> -> memref<1024xf32, #tpu.memory_space<vmem>>
        %dma_wait3A_63 = arith.constant 0 : i32
        %dma_wait3A_64 = tpu.memref_slice %arg4[%run_scoped3A_34, %add3A_9, %dma_wait3A_63] : memref<16x1024x1024xf32, #tpu.memory_space<hbm>> -> memref<1x1x1024xf32, #tpu.memory_space<hbm>>
        %dma_wait3A_65 = tpu.memref_squeeze %dma_wait3A_64 : memref<1x1x1024xf32, #tpu.memory_space<hbm>> -> memref<1024xf32, #tpu.memory_space<hbm>>
        %dma_wait3A_66 = arith.constant 0 : i32
        %dma_wait3A_67 = tpu.memref_slice %arg4[%run_scoped3A_34, %add3A_9, %dma_wait3A_66] : memref<16x1024x1024xf32, #tpu.memory_space<hbm>> -> memref<1x1x1024xf32, #tpu.memory_space<hbm>>
        %dma_wait3A_68 = tpu.memref_squeeze %dma_wait3A_67 : memref<1x1x1024xf32, #tpu.memory_space<hbm>> -> memref<1024xf32, #tpu.memory_space<hbm>>
        %dma_wait3A_69 = arith.constant 0 : i32
        %dma_wait3A_70 = tpu.memref_slice %arg7[%run_scoped3A_33, %dma_wait3A_69] : memref<16x1024xf32, #tpu.memory_space<vmem>> -> memref<1x1024xf32, #tpu.memory_space<vmem>>
        %dma_wait3A_71 = tpu.memref_squeeze %dma_wait3A_70 : memref<1x1024xf32, #tpu.memory_space<vmem>> -> memref<1024xf32, #tpu.memory_space<vmem>>
        tpu.wait_dma2 semaphore(%run_scoped3A_49 : memref<!tpu.dma_semaphore, #tpu.memory_space<semaphore_mem>>) src(%dma_wait3A_71 : memref<1024xf32, #tpu.memory_space<vmem>>) dst(%dma_wait3A_68 : memref<1024xf32, #tpu.memory_space<hbm>>)
        tpu.yield
      }) : () -> ()
      %run_scoped3A_35 = arith.constant 9 : i32
      %run_scoped3A_36 = arith.constant 9 : i32
      "tpu.region"() ({
        %run_scoped3A_49 = tpu.sem_alloc : memref<!tpu.dma_semaphore, #tpu.memory_space<semaphore_mem>>
        %dma_start3A = arith.constant 0 : i32
        %dma_start3A_50 = tpu.memref_slice %arg7[%run_scoped3A_35, %dma_start3A] : memref<16x1024xf32, #tpu.memory_space<vmem>> -> memref<1x1024xf32, #tpu.memory_space<vmem>>
        %dma_start3A_51 = tpu.memref_squeeze %dma_start3A_50 : memref<1x1024xf32, #tpu.memory_space<vmem>> -> memref<1024xf32, #tpu.memory_space<vmem>>
        %dma_start3A_52 = arith.constant 0 : i32
        %dma_start3A_53 = tpu.memref_slice %arg4[%run_scoped3A_36, %add3A_9, %dma_start3A_52] : memref<16x1024x1024xf32, #tpu.memory_space<hbm>> -> memref<1x1x1024xf32, #tpu.memory_space<hbm>>
        %dma_start3A_54 = tpu.memref_squeeze %dma_start3A_53 : memref<1x1x1024xf32, #tpu.memory_space<hbm>> -> memref<1024xf32, #tpu.memory_space<hbm>>
        %dma_start3A_55 = arith.constant 0 : i32
        %dma_start3A_56 = tpu.memref_slice %arg4[%run_scoped3A_36, %add3A_9, %dma_start3A_55] : memref<16x1024x1024xf32, #tpu.memory_space<hbm>> -> memref<1x1x1024xf32, #tpu.memory_space<hbm>>
        %dma_start3A_57 = tpu.memref_squeeze %dma_start3A_56 : memref<1x1x1024xf32, #tpu.memory_space<hbm>> -> memref<1024xf32, #tpu.memory_space<hbm>>
        %dma_start3A_58 = arith.constant 0 : i32
        %dma_start3A_59 = tpu.memref_slice %arg7[%run_scoped3A_35, %dma_start3A_58] : memref<16x1024xf32, #tpu.memory_space<vmem>> -> memref<1x1024xf32, #tpu.memory_space<vmem>>
        %dma_start3A_60 = tpu.memref_squeeze %dma_start3A_59 : memref<1x1024xf32, #tpu.memory_space<vmem>> -> memref<1024xf32, #tpu.memory_space<vmem>>
        tpu.enqueue_dma source(%dma_start3A_60 : memref<1024xf32, #tpu.memory_space<vmem>>) target(%dma_start3A_57 : memref<1024xf32, #tpu.memory_space<hbm>>) target_semaphore(%run_scoped3A_49 : memref<!tpu.dma_semaphore, #tpu.memory_space<semaphore_mem>>)
        %dma_wait3A = arith.constant 0 : i32
        %dma_wait3A_61 = tpu.memref_slice %arg7[%run_scoped3A_35, %dma_wait3A] : memref<16x1024xf32, #tpu.memory_space<vmem>> -> memref<1x1024xf32, #tpu.memory_space<vmem>>
        %dma_wait3A_62 = tpu.memref_squeeze %dma_wait3A_61 : memref<1x1024xf32, #tpu.memory_space<vmem>> -> memref<1024xf32, #tpu.memory_space<vmem>>
        %dma_wait3A_63 = arith.constant 0 : i32
        %dma_wait3A_64 = tpu.memref_slice %arg4[%run_scoped3A_36, %add3A_9, %dma_wait3A_63] : memref<16x1024x1024xf32, #tpu.memory_space<hbm>> -> memref<1x1x1024xf32, #tpu.memory_space<hbm>>
        %dma_wait3A_65 = tpu.memref_squeeze %dma_wait3A_64 : memref<1x1x1024xf32, #tpu.memory_space<hbm>> -> memref<1024xf32, #tpu.memory_space<hbm>>
        %dma_wait3A_66 = arith.constant 0 : i32
        %dma_wait3A_67 = tpu.memref_slice %arg4[%run_scoped3A_36, %add3A_9, %dma_wait3A_66] : memref<16x1024x1024xf32, #tpu.memory_space<hbm>> -> memref<1x1x1024xf32, #tpu.memory_space<hbm>>
        %dma_wait3A_68 = tpu.memref_squeeze %dma_wait3A_67 : memref<1x1x1024xf32, #tpu.memory_space<hbm>> -> memref<1024xf32, #tpu.memory_space<hbm>>
        %dma_wait3A_69 = arith.constant 0 : i32
        %dma_wait3A_70 = tpu.memref_slice %arg7[%run_scoped3A_35, %dma_wait3A_69] : memref<16x1024xf32, #tpu.memory_space<vmem>> -> memref<1x1024xf32, #tpu.memory_space<vmem>>
        %dma_wait3A_71 = tpu.memref_squeeze %dma_wait3A_70 : memref<1x1024xf32, #tpu.memory_space<vmem>> -> memref<1024xf32, #tpu.memory_space<vmem>>
        tpu.wait_dma2 semaphore(%run_scoped3A_49 : memref<!tpu.dma_semaphore, #tpu.memory_space<semaphore_mem>>) src(%dma_wait3A_71 : memref<1024xf32, #tpu.memory_space<vmem>>) dst(%dma_wait3A_68 : memref<1024xf32, #tpu.memory_space<hbm>>)
        tpu.yield
      }) : () -> ()
      %run_scoped3A_37 = arith.constant 10 : i32
      %run_scoped3A_38 = arith.constant 10 : i32
      "tpu.region"() ({
        %run_scoped3A_49 = tpu.sem_alloc : memref<!tpu.dma_semaphore, #tpu.memory_space<semaphore_mem>>
        %dma_start3A = arith.constant 0 : i32
        %dma_start3A_50 = tpu.memref_slice %arg7[%run_scoped3A_37, %dma_start3A] : memref<16x1024xf32, #tpu.memory_space<vmem>> -> memref<1x1024xf32, #tpu.memory_space<vmem>>
        %dma_start3A_51 = tpu.memref_squeeze %dma_start3A_50 : memref<1x1024xf32, #tpu.memory_space<vmem>> -> memref<1024xf32, #tpu.memory_space<vmem>>
        %dma_start3A_52 = arith.constant 0 : i32
        %dma_start3A_53 = tpu.memref_slice %arg4[%run_scoped3A_38, %add3A_9, %dma_start3A_52] : memref<16x1024x1024xf32, #tpu.memory_space<hbm>> -> memref<1x1x1024xf32, #tpu.memory_space<hbm>>
        %dma_start3A_54 = tpu.memref_squeeze %dma_start3A_53 : memref<1x1x1024xf32, #tpu.memory_space<hbm>> -> memref<1024xf32, #tpu.memory_space<hbm>>
        %dma_start3A_55 = arith.constant 0 : i32
        %dma_start3A_56 = tpu.memref_slice %arg4[%run_scoped3A_38, %add3A_9, %dma_start3A_55] : memref<16x1024x1024xf32, #tpu.memory_space<hbm>> -> memref<1x1x1024xf32, #tpu.memory_space<hbm>>
        %dma_start3A_57 = tpu.memref_squeeze %dma_start3A_56 : memref<1x1x1024xf32, #tpu.memory_space<hbm>> -> memref<1024xf32, #tpu.memory_space<hbm>>
        %dma_start3A_58 = arith.constant 0 : i32
        %dma_start3A_59 = tpu.memref_slice %arg7[%run_scoped3A_37, %dma_start3A_58] : memref<16x1024xf32, #tpu.memory_space<vmem>> -> memref<1x1024xf32, #tpu.memory_space<vmem>>
        %dma_start3A_60 = tpu.memref_squeeze %dma_start3A_59 : memref<1x1024xf32, #tpu.memory_space<vmem>> -> memref<1024xf32, #tpu.memory_space<vmem>>
        tpu.enqueue_dma source(%dma_start3A_60 : memref<1024xf32, #tpu.memory_space<vmem>>) target(%dma_start3A_57 : memref<1024xf32, #tpu.memory_space<hbm>>) target_semaphore(%run_scoped3A_49 : memref<!tpu.dma_semaphore, #tpu.memory_space<semaphore_mem>>)
        %dma_wait3A = arith.constant 0 : i32
        %dma_wait3A_61 = tpu.memref_slice %arg7[%run_scoped3A_37, %dma_wait3A] : memref<16x1024xf32, #tpu.memory_space<vmem>> -> memref<1x1024xf32, #tpu.memory_space<vmem>>
        %dma_wait3A_62 = tpu.memref_squeeze %dma_wait3A_61 : memref<1x1024xf32, #tpu.memory_space<vmem>> -> memref<1024xf32, #tpu.memory_space<vmem>>
        %dma_wait3A_63 = arith.constant 0 : i32
        %dma_wait3A_64 = tpu.memref_slice %arg4[%run_scoped3A_38, %add3A_9, %dma_wait3A_63] : memref<16x1024x1024xf32, #tpu.memory_space<hbm>> -> memref<1x1x1024xf32, #tpu.memory_space<hbm>>
        %dma_wait3A_65 = tpu.memref_squeeze %dma_wait3A_64 : memref<1x1x1024xf32, #tpu.memory_space<hbm>> -> memref<1024xf32, #tpu.memory_space<hbm>>
        %dma_wait3A_66 = arith.constant 0 : i32
        %dma_wait3A_67 = tpu.memref_slice %arg4[%run_scoped3A_38, %add3A_9, %dma_wait3A_66] : memref<16x1024x1024xf32, #tpu.memory_space<hbm>> -> memref<1x1x1024xf32, #tpu.memory_space<hbm>>
        %dma_wait3A_68 = tpu.memref_squeeze %dma_wait3A_67 : memref<1x1x1024xf32, #tpu.memory_space<hbm>> -> memref<1024xf32, #tpu.memory_space<hbm>>
        %dma_wait3A_69 = arith.constant 0 : i32
        %dma_wait3A_70 = tpu.memref_slice %arg7[%run_scoped3A_37, %dma_wait3A_69] : memref<16x1024xf32, #tpu.memory_space<vmem>> -> memref<1x1024xf32, #tpu.memory_space<vmem>>
        %dma_wait3A_71 = tpu.memref_squeeze %dma_wait3A_70 : memref<1x1024xf32, #tpu.memory_space<vmem>> -> memref<1024xf32, #tpu.memory_space<vmem>>
        tpu.wait_dma2 semaphore(%run_scoped3A_49 : memref<!tpu.dma_semaphore, #tpu.memory_space<semaphore_mem>>) src(%dma_wait3A_71 : memref<1024xf32, #tpu.memory_space<vmem>>) dst(%dma_wait3A_68 : memref<1024xf32, #tpu.memory_space<hbm>>)
        tpu.yield
      }) : () -> ()
      %run_scoped3A_39 = arith.constant 11 : i32
      %run_scoped3A_40 = arith.constant 11 : i32
      "tpu.region"() ({
        %run_scoped3A_49 = tpu.sem_alloc : memref<!tpu.dma_semaphore, #tpu.memory_space<semaphore_mem>>
        %dma_start3A = arith.constant 0 : i32
        %dma_start3A_50 = tpu.memref_slice %arg7[%run_scoped3A_39, %dma_start3A] : memref<16x1024xf32, #tpu.memory_space<vmem>> -> memref<1x1024xf32, #tpu.memory_space<vmem>>
        %dma_start3A_51 = tpu.memref_squeeze %dma_start3A_50 : memref<1x1024xf32, #tpu.memory_space<vmem>> -> memref<1024xf32, #tpu.memory_space<vmem>>
        %dma_start3A_52 = arith.constant 0 : i32
        %dma_start3A_53 = tpu.memref_slice %arg4[%run_scoped3A_40, %add3A_9, %dma_start3A_52] : memref<16x1024x1024xf32, #tpu.memory_space<hbm>> -> memref<1x1x1024xf32, #tpu.memory_space<hbm>>
        %dma_start3A_54 = tpu.memref_squeeze %dma_start3A_53 : memref<1x1x1024xf32, #tpu.memory_space<hbm>> -> memref<1024xf32, #tpu.memory_space<hbm>>
        %dma_start3A_55 = arith.constant 0 : i32
        %dma_start3A_56 = tpu.memref_slice %arg4[%run_scoped3A_40, %add3A_9, %dma_start3A_55] : memref<16x1024x1024xf32, #tpu.memory_space<hbm>> -> memref<1x1x1024xf32, #tpu.memory_space<hbm>>
        %dma_start3A_57 = tpu.memref_squeeze %dma_start3A_56 : memref<1x1x1024xf32, #tpu.memory_space<hbm>> -> memref<1024xf32, #tpu.memory_space<hbm>>
        %dma_start3A_58 = arith.constant 0 : i32
        %dma_start3A_59 = tpu.memref_slice %arg7[%run_scoped3A_39, %dma_start3A_58] : memref<16x1024xf32, #tpu.memory_space<vmem>> -> memref<1x1024xf32, #tpu.memory_space<vmem>>
        %dma_start3A_60 = tpu.memref_squeeze %dma_start3A_59 : memref<1x1024xf32, #tpu.memory_space<vmem>> -> memref<1024xf32, #tpu.memory_space<vmem>>
        tpu.enqueue_dma source(%dma_start3A_60 : memref<1024xf32, #tpu.memory_space<vmem>>) target(%dma_start3A_57 : memref<1024xf32, #tpu.memory_space<hbm>>) target_semaphore(%run_scoped3A_49 : memref<!tpu.dma_semaphore, #tpu.memory_space<semaphore_mem>>)
        %dma_wait3A = arith.constant 0 : i32
        %dma_wait3A_61 = tpu.memref_slice %arg7[%run_scoped3A_39, %dma_wait3A] : memref<16x1024xf32, #tpu.memory_space<vmem>> -> memref<1x1024xf32, #tpu.memory_space<vmem>>
        %dma_wait3A_62 = tpu.memref_squeeze %dma_wait3A_61 : memref<1x1024xf32, #tpu.memory_space<vmem>> -> memref<1024xf32, #tpu.memory_space<vmem>>
        %dma_wait3A_63 = arith.constant 0 : i32
        %dma_wait3A_64 = tpu.memref_slice %arg4[%run_scoped3A_40, %add3A_9, %dma_wait3A_63] : memref<16x1024x1024xf32, #tpu.memory_space<hbm>> -> memref<1x1x1024xf32, #tpu.memory_space<hbm>>
        %dma_wait3A_65 = tpu.memref_squeeze %dma_wait3A_64 : memref<1x1x1024xf32, #tpu.memory_space<hbm>> -> memref<1024xf32, #tpu.memory_space<hbm>>
        %dma_wait3A_66 = arith.constant 0 : i32
        %dma_wait3A_67 = tpu.memref_slice %arg4[%run_scoped3A_40, %add3A_9, %dma_wait3A_66] : memref<16x1024x1024xf32, #tpu.memory_space<hbm>> -> memref<1x1x1024xf32, #tpu.memory_space<hbm>>
        %dma_wait3A_68 = tpu.memref_squeeze %dma_wait3A_67 : memref<1x1x1024xf32, #tpu.memory_space<hbm>> -> memref<1024xf32, #tpu.memory_space<hbm>>
        %dma_wait3A_69 = arith.constant 0 : i32
        %dma_wait3A_70 = tpu.memref_slice %arg7[%run_scoped3A_39, %dma_wait3A_69] : memref<16x1024xf32, #tpu.memory_space<vmem>> -> memref<1x1024xf32, #tpu.memory_space<vmem>>
        %dma_wait3A_71 = tpu.memref_squeeze %dma_wait3A_70 : memref<1x1024xf32, #tpu.memory_space<vmem>> -> memref<1024xf32, #tpu.memory_space<vmem>>
        tpu.wait_dma2 semaphore(%run_scoped3A_49 : memref<!tpu.dma_semaphore, #tpu.memory_space<semaphore_mem>>) src(%dma_wait3A_71 : memref<1024xf32, #tpu.memory_space<vmem>>) dst(%dma_wait3A_68 : memref<1024xf32, #tpu.memory_space<hbm>>)
        tpu.yield
      }) : () -> ()
      %run_scoped3A_41 = arith.constant 12 : i32
      %run_scoped3A_42 = arith.constant 12 : i32
      "tpu.region"() ({
        %run_scoped3A_49 = tpu.sem_alloc : memref<!tpu.dma_semaphore, #tpu.memory_space<semaphore_mem>>
        %dma_start3A = arith.constant 0 : i32
        %dma_start3A_50 = tpu.memref_slice %arg7[%run_scoped3A_41, %dma_start3A] : memref<16x1024xf32, #tpu.memory_space<vmem>> -> memref<1x1024xf32, #tpu.memory_space<vmem>>
        %dma_start3A_51 = tpu.memref_squeeze %dma_start3A_50 : memref<1x1024xf32, #tpu.memory_space<vmem>> -> memref<1024xf32, #tpu.memory_space<vmem>>
        %dma_start3A_52 = arith.constant 0 : i32
        %dma_start3A_53 = tpu.memref_slice %arg4[%run_scoped3A_42, %add3A_9, %dma_start3A_52] : memref<16x1024x1024xf32, #tpu.memory_space<hbm>> -> memref<1x1x1024xf32, #tpu.memory_space<hbm>>
        %dma_start3A_54 = tpu.memref_squeeze %dma_start3A_53 : memref<1x1x1024xf32, #tpu.memory_space<hbm>> -> memref<1024xf32, #tpu.memory_space<hbm>>
        %dma_start3A_55 = arith.constant 0 : i32
        %dma_start3A_56 = tpu.memref_slice %arg4[%run_scoped3A_42, %add3A_9, %dma_start3A_55] : memref<16x1024x1024xf32, #tpu.memory_space<hbm>> -> memref<1x1x1024xf32, #tpu.memory_space<hbm>>
        %dma_start3A_57 = tpu.memref_squeeze %dma_start3A_56 : memref<1x1x1024xf32, #tpu.memory_space<hbm>> -> memref<1024xf32, #tpu.memory_space<hbm>>
        %dma_start3A_58 = arith.constant 0 : i32
        %dma_start3A_59 = tpu.memref_slice %arg7[%run_scoped3A_41, %dma_start3A_58] : memref<16x1024xf32, #tpu.memory_space<vmem>> -> memref<1x1024xf32, #tpu.memory_space<vmem>>
        %dma_start3A_60 = tpu.memref_squeeze %dma_start3A_59 : memref<1x1024xf32, #tpu.memory_space<vmem>> -> memref<1024xf32, #tpu.memory_space<vmem>>
        tpu.enqueue_dma source(%dma_start3A_60 : memref<1024xf32, #tpu.memory_space<vmem>>) target(%dma_start3A_57 : memref<1024xf32, #tpu.memory_space<hbm>>) target_semaphore(%run_scoped3A_49 : memref<!tpu.dma_semaphore, #tpu.memory_space<semaphore_mem>>)
        %dma_wait3A = arith.constant 0 : i32
        %dma_wait3A_61 = tpu.memref_slice %arg7[%run_scoped3A_41, %dma_wait3A] : memref<16x1024xf32, #tpu.memory_space<vmem>> -> memref<1x1024xf32, #tpu.memory_space<vmem>>
        %dma_wait3A_62 = tpu.memref_squeeze %dma_wait3A_61 : memref<1x1024xf32, #tpu.memory_space<vmem>> -> memref<1024xf32, #tpu.memory_space<vmem>>
        %dma_wait3A_63 = arith.constant 0 : i32
        %dma_wait3A_64 = tpu.memref_slice %arg4[%run_scoped3A_42, %add3A_9, %dma_wait3A_63] : memref<16x1024x1024xf32, #tpu.memory_space<hbm>> -> memref<1x1x1024xf32, #tpu.memory_space<hbm>>
        %dma_wait3A_65 = tpu.memref_squeeze %dma_wait3A_64 : memref<1x1x1024xf32, #tpu.memory_space<hbm>> -> memref<1024xf32, #tpu.memory_space<hbm>>
        %dma_wait3A_66 = arith.constant 0 : i32
        %dma_wait3A_67 = tpu.memref_slice %arg4[%run_scoped3A_42, %add3A_9, %dma_wait3A_66] : memref<16x1024x1024xf32, #tpu.memory_space<hbm>> -> memref<1x1x1024xf32, #tpu.memory_space<hbm>>
        %dma_wait3A_68 = tpu.memref_squeeze %dma_wait3A_67 : memref<1x1x1024xf32, #tpu.memory_space<hbm>> -> memref<1024xf32, #tpu.memory_space<hbm>>
        %dma_wait3A_69 = arith.constant 0 : i32
        %dma_wait3A_70 = tpu.memref_slice %arg7[%run_scoped3A_41, %dma_wait3A_69] : memref<16x1024xf32, #tpu.memory_space<vmem>> -> memref<1x1024xf32, #tpu.memory_space<vmem>>
        %dma_wait3A_71 = tpu.memref_squeeze %dma_wait3A_70 : memref<1x1024xf32, #tpu.memory_space<vmem>> -> memref<1024xf32, #tpu.memory_space<vmem>>
        tpu.wait_dma2 semaphore(%run_scoped3A_49 : memref<!tpu.dma_semaphore, #tpu.memory_space<semaphore_mem>>) src(%dma_wait3A_71 : memref<1024xf32, #tpu.memory_space<vmem>>) dst(%dma_wait3A_68 : memref<1024xf32, #tpu.memory_space<hbm>>)
        tpu.yield
      }) : () -> ()
      %run_scoped3A_43 = arith.constant 13 : i32
      %run_scoped3A_44 = arith.constant 13 : i32
      "tpu.region"() ({
        %run_scoped3A_49 = tpu.sem_alloc : memref<!tpu.dma_semaphore, #tpu.memory_space<semaphore_mem>>
        %dma_start3A = arith.constant 0 : i32
        %dma_start3A_50 = tpu.memref_slice %arg7[%run_scoped3A_43, %dma_start3A] : memref<16x1024xf32, #tpu.memory_space<vmem>> -> memref<1x1024xf32, #tpu.memory_space<vmem>>
        %dma_start3A_51 = tpu.memref_squeeze %dma_start3A_50 : memref<1x1024xf32, #tpu.memory_space<vmem>> -> memref<1024xf32, #tpu.memory_space<vmem>>
        %dma_start3A_52 = arith.constant 0 : i32
        %dma_start3A_53 = tpu.memref_slice %arg4[%run_scoped3A_44, %add3A_9, %dma_start3A_52] : memref<16x1024x1024xf32, #tpu.memory_space<hbm>> -> memref<1x1x1024xf32, #tpu.memory_space<hbm>>
        %dma_start3A_54 = tpu.memref_squeeze %dma_start3A_53 : memref<1x1x1024xf32, #tpu.memory_space<hbm>> -> memref<1024xf32, #tpu.memory_space<hbm>>
        %dma_start3A_55 = arith.constant 0 : i32
        %dma_start3A_56 = tpu.memref_slice %arg4[%run_scoped3A_44, %add3A_9, %dma_start3A_55] : memref<16x1024x1024xf32, #tpu.memory_space<hbm>> -> memref<1x1x1024xf32, #tpu.memory_space<hbm>>
        %dma_start3A_57 = tpu.memref_squeeze %dma_start3A_56 : memref<1x1x1024xf32, #tpu.memory_space<hbm>> -> memref<1024xf32, #tpu.memory_space<hbm>>
        %dma_start3A_58 = arith.constant 0 : i32
        %dma_start3A_59 = tpu.memref_slice %arg7[%run_scoped3A_43, %dma_start3A_58] : memref<16x1024xf32, #tpu.memory_space<vmem>> -> memref<1x1024xf32, #tpu.memory_space<vmem>>
        %dma_start3A_60 = tpu.memref_squeeze %dma_start3A_59 : memref<1x1024xf32, #tpu.memory_space<vmem>> -> memref<1024xf32, #tpu.memory_space<vmem>>
        tpu.enqueue_dma source(%dma_start3A_60 : memref<1024xf32, #tpu.memory_space<vmem>>) target(%dma_start3A_57 : memref<1024xf32, #tpu.memory_space<hbm>>) target_semaphore(%run_scoped3A_49 : memref<!tpu.dma_semaphore, #tpu.memory_space<semaphore_mem>>)
        %dma_wait3A = arith.constant 0 : i32
        %dma_wait3A_61 = tpu.memref_slice %arg7[%run_scoped3A_43, %dma_wait3A] : memref<16x1024xf32, #tpu.memory_space<vmem>> -> memref<1x1024xf32, #tpu.memory_space<vmem>>
        %dma_wait3A_62 = tpu.memref_squeeze %dma_wait3A_61 : memref<1x1024xf32, #tpu.memory_space<vmem>> -> memref<1024xf32, #tpu.memory_space<vmem>>
        %dma_wait3A_63 = arith.constant 0 : i32
        %dma_wait3A_64 = tpu.memref_slice %arg4[%run_scoped3A_44, %add3A_9, %dma_wait3A_63] : memref<16x1024x1024xf32, #tpu.memory_space<hbm>> -> memref<1x1x1024xf32, #tpu.memory_space<hbm>>
        %dma_wait3A_65 = tpu.memref_squeeze %dma_wait3A_64 : memref<1x1x1024xf32, #tpu.memory_space<hbm>> -> memref<1024xf32, #tpu.memory_space<hbm>>
        %dma_wait3A_66 = arith.constant 0 : i32
        %dma_wait3A_67 = tpu.memref_slice %arg4[%run_scoped3A_44, %add3A_9, %dma_wait3A_66] : memref<16x1024x1024xf32, #tpu.memory_space<hbm>> -> memref<1x1x1024xf32, #tpu.memory_space<hbm>>
        %dma_wait3A_68 = tpu.memref_squeeze %dma_wait3A_67 : memref<1x1x1024xf32, #tpu.memory_space<hbm>> -> memref<1024xf32, #tpu.memory_space<hbm>>
        %dma_wait3A_69 = arith.constant 0 : i32
        %dma_wait3A_70 = tpu.memref_slice %arg7[%run_scoped3A_43, %dma_wait3A_69] : memref<16x1024xf32, #tpu.memory_space<vmem>> -> memref<1x1024xf32, #tpu.memory_space<vmem>>
        %dma_wait3A_71 = tpu.memref_squeeze %dma_wait3A_70 : memref<1x1024xf32, #tpu.memory_space<vmem>> -> memref<1024xf32, #tpu.memory_space<vmem>>
        tpu.wait_dma2 semaphore(%run_scoped3A_49 : memref<!tpu.dma_semaphore, #tpu.memory_space<semaphore_mem>>) src(%dma_wait3A_71 : memref<1024xf32, #tpu.memory_space<vmem>>) dst(%dma_wait3A_68 : memref<1024xf32, #tpu.memory_space<hbm>>)
        tpu.yield
      }) : () -> ()
      %run_scoped3A_45 = arith.constant 14 : i32
      %run_scoped3A_46 = arith.constant 14 : i32
      "tpu.region"() ({
        %run_scoped3A_49 = tpu.sem_alloc : memref<!tpu.dma_semaphore, #tpu.memory_space<semaphore_mem>>
        %dma_start3A = arith.constant 0 : i32
        %dma_start3A_50 = tpu.memref_slice %arg7[%run_scoped3A_45, %dma_start3A] : memref<16x1024xf32, #tpu.memory_space<vmem>> -> memref<1x1024xf32, #tpu.memory_space<vmem>>
        %dma_start3A_51 = tpu.memref_squeeze %dma_start3A_50 : memref<1x1024xf32, #tpu.memory_space<vmem>> -> memref<1024xf32, #tpu.memory_space<vmem>>
        %dma_start3A_52 = arith.constant 0 : i32
        %dma_start3A_53 = tpu.memref_slice %arg4[%run_scoped3A_46, %add3A_9, %dma_start3A_52] : memref<16x1024x1024xf32, #tpu.memory_space<hbm>> -> memref<1x1x1024xf32, #tpu.memory_space<hbm>>
        %dma_start3A_54 = tpu.memref_squeeze %dma_start3A_53 : memref<1x1x1024xf32, #tpu.memory_space<hbm>> -> memref<1024xf32, #tpu.memory_space<hbm>>
        %dma_start3A_55 = arith.constant 0 : i32
        %dma_start3A_56 = tpu.memref_slice %arg4[%run_scoped3A_46, %add3A_9, %dma_start3A_55] : memref<16x1024x1024xf32, #tpu.memory_space<hbm>> -> memref<1x1x1024xf32, #tpu.memory_space<hbm>>
        %dma_start3A_57 = tpu.memref_squeeze %dma_start3A_56 : memref<1x1x1024xf32, #tpu.memory_space<hbm>> -> memref<1024xf32, #tpu.memory_space<hbm>>
        %dma_start3A_58 = arith.constant 0 : i32
        %dma_start3A_59 = tpu.memref_slice %arg7[%run_scoped3A_45, %dma_start3A_58] : memref<16x1024xf32, #tpu.memory_space<vmem>> -> memref<1x1024xf32, #tpu.memory_space<vmem>>
        %dma_start3A_60 = tpu.memref_squeeze %dma_start3A_59 : memref<1x1024xf32, #tpu.memory_space<vmem>> -> memref<1024xf32, #tpu.memory_space<vmem>>
        tpu.enqueue_dma source(%dma_start3A_60 : memref<1024xf32, #tpu.memory_space<vmem>>) target(%dma_start3A_57 : memref<1024xf32, #tpu.memory_space<hbm>>) target_semaphore(%run_scoped3A_49 : memref<!tpu.dma_semaphore, #tpu.memory_space<semaphore_mem>>)
        %dma_wait3A = arith.constant 0 : i32
        %dma_wait3A_61 = tpu.memref_slice %arg7[%run_scoped3A_45, %dma_wait3A] : memref<16x1024xf32, #tpu.memory_space<vmem>> -> memref<1x1024xf32, #tpu.memory_space<vmem>>
        %dma_wait3A_62 = tpu.memref_squeeze %dma_wait3A_61 : memref<1x1024xf32, #tpu.memory_space<vmem>> -> memref<1024xf32, #tpu.memory_space<vmem>>
        %dma_wait3A_63 = arith.constant 0 : i32
        %dma_wait3A_64 = tpu.memref_slice %arg4[%run_scoped3A_46, %add3A_9, %dma_wait3A_63] : memref<16x1024x1024xf32, #tpu.memory_space<hbm>> -> memref<1x1x1024xf32, #tpu.memory_space<hbm>>
        %dma_wait3A_65 = tpu.memref_squeeze %dma_wait3A_64 : memref<1x1x1024xf32, #tpu.memory_space<hbm>> -> memref<1024xf32, #tpu.memory_space<hbm>>
        %dma_wait3A_66 = arith.constant 0 : i32
        %dma_wait3A_67 = tpu.memref_slice %arg4[%run_scoped3A_46, %add3A_9, %dma_wait3A_66] : memref<16x1024x1024xf32, #tpu.memory_space<hbm>> -> memref<1x1x1024xf32, #tpu.memory_space<hbm>>
        %dma_wait3A_68 = tpu.memref_squeeze %dma_wait3A_67 : memref<1x1x1024xf32, #tpu.memory_space<hbm>> -> memref<1024xf32, #tpu.memory_space<hbm>>
        %dma_wait3A_69 = arith.constant 0 : i32
        %dma_wait3A_70 = tpu.memref_slice %arg7[%run_scoped3A_45, %dma_wait3A_69] : memref<16x1024xf32, #tpu.memory_space<vmem>> -> memref<1x1024xf32, #tpu.memory_space<vmem>>
        %dma_wait3A_71 = tpu.memref_squeeze %dma_wait3A_70 : memref<1x1024xf32, #tpu.memory_space<vmem>> -> memref<1024xf32, #tpu.memory_space<vmem>>
        tpu.wait_dma2 semaphore(%run_scoped3A_49 : memref<!tpu.dma_semaphore, #tpu.memory_space<semaphore_mem>>) src(%dma_wait3A_71 : memref<1024xf32, #tpu.memory_space<vmem>>) dst(%dma_wait3A_68 : memref<1024xf32, #tpu.memory_space<hbm>>)
        tpu.yield
      }) : () -> ()
      %run_scoped3A_47 = arith.constant 15 : i32
      %run_scoped3A_48 = arith.constant 15 : i32
      "tpu.region"() ({
        %run_scoped3A_49 = tpu.sem_alloc : memref<!tpu.dma_semaphore, #tpu.memory_space<semaphore_mem>>
        %dma_start3A = arith.constant 0 : i32
        %dma_start3A_50 = tpu.memref_slice %arg7[%run_scoped3A_47, %dma_start3A] : memref<16x1024xf32, #tpu.memory_space<vmem>> -> memref<1x1024xf32, #tpu.memory_space<vmem>>
        %dma_start3A_51 = tpu.memref_squeeze %dma_start3A_50 : memref<1x1024xf32, #tpu.memory_space<vmem>> -> memref<1024xf32, #tpu.memory_space<vmem>>
        %dma_start3A_52 = arith.constant 0 : i32
        %dma_start3A_53 = tpu.memref_slice %arg4[%run_scoped3A_48, %add3A_9, %dma_start3A_52] : memref<16x1024x1024xf32, #tpu.memory_space<hbm>> -> memref<1x1x1024xf32, #tpu.memory_space<hbm>>
        %dma_start3A_54 = tpu.memref_squeeze %dma_start3A_53 : memref<1x1x1024xf32, #tpu.memory_space<hbm>> -> memref<1024xf32, #tpu.memory_space<hbm>>
        %dma_start3A_55 = arith.constant 0 : i32
        %dma_start3A_56 = tpu.memref_slice %arg4[%run_scoped3A_48, %add3A_9, %dma_start3A_55] : memref<16x1024x1024xf32, #tpu.memory_space<hbm>> -> memref<1x1x1024xf32, #tpu.memory_space<hbm>>
        %dma_start3A_57 = tpu.memref_squeeze %dma_start3A_56 : memref<1x1x1024xf32, #tpu.memory_space<hbm>> -> memref<1024xf32, #tpu.memory_space<hbm>>
        %dma_start3A_58 = arith.constant 0 : i32
        %dma_start3A_59 = tpu.memref_slice %arg7[%run_scoped3A_47, %dma_start3A_58] : memref<16x1024xf32, #tpu.memory_space<vmem>> -> memref<1x1024xf32, #tpu.memory_space<vmem>>
        %dma_start3A_60 = tpu.memref_squeeze %dma_start3A_59 : memref<1x1024xf32, #tpu.memory_space<vmem>> -> memref<1024xf32, #tpu.memory_space<vmem>>
        tpu.enqueue_dma source(%dma_start3A_60 : memref<1024xf32, #tpu.memory_space<vmem>>) target(%dma_start3A_57 : memref<1024xf32, #tpu.memory_space<hbm>>) target_semaphore(%run_scoped3A_49 : memref<!tpu.dma_semaphore, #tpu.memory_space<semaphore_mem>>)
        %dma_wait3A = arith.constant 0 : i32
        %dma_wait3A_61 = tpu.memref_slice %arg7[%run_scoped3A_47, %dma_wait3A] : memref<16x1024xf32, #tpu.memory_space<vmem>> -> memref<1x1024xf32, #tpu.memory_space<vmem>>
        %dma_wait3A_62 = tpu.memref_squeeze %dma_wait3A_61 : memref<1x1024xf32, #tpu.memory_space<vmem>> -> memref<1024xf32, #tpu.memory_space<vmem>>
        %dma_wait3A_63 = arith.constant 0 : i32
        %dma_wait3A_64 = tpu.memref_slice %arg4[%run_scoped3A_48, %add3A_9, %dma_wait3A_63] : memref<16x1024x1024xf32, #tpu.memory_space<hbm>> -> memref<1x1x1024xf32, #tpu.memory_space<hbm>>
        %dma_wait3A_65 = tpu.memref_squeeze %dma_wait3A_64 : memref<1x1x1024xf32, #tpu.memory_space<hbm>> -> memref<1024xf32, #tpu.memory_space<hbm>>
        %dma_wait3A_66 = arith.constant 0 : i32
        %dma_wait3A_67 = tpu.memref_slice %arg4[%run_scoped3A_48, %add3A_9, %dma_wait3A_66] : memref<16x1024x1024xf32, #tpu.memory_space<hbm>> -> memref<1x1x1024xf32, #tpu.memory_space<hbm>>
        %dma_wait3A_68 = tpu.memref_squeeze %dma_wait3A_67 : memref<1x1x1024xf32, #tpu.memory_space<hbm>> -> memref<1024xf32, #tpu.memory_space<hbm>>
        %dma_wait3A_69 = arith.constant 0 : i32
        %dma_wait3A_70 = tpu.memref_slice %arg7[%run_scoped3A_47, %dma_wait3A_69] : memref<16x1024xf32, #tpu.memory_space<vmem>> -> memref<1x1024xf32, #tpu.memory_space<vmem>>
        %dma_wait3A_71 = tpu.memref_squeeze %dma_wait3A_70 : memref<1x1024xf32, #tpu.memory_space<vmem>> -> memref<1024xf32, #tpu.memory_space<vmem>>
        tpu.wait_dma2 semaphore(%run_scoped3A_49 : memref<!tpu.dma_semaphore, #tpu.memory_space<semaphore_mem>>) src(%dma_wait3A_71 : memref<1024xf32, #tpu.memory_space<vmem>>) dst(%dma_wait3A_68 : memref<1024xf32, #tpu.memory_space<hbm>>)
        tpu.yield
      }) : () -> ()
    }
    %scan3A_5 = arith.constant 32 : i32
    return
  }
}

</mosaic_0001>

<sc_bundles>
// kernel: kernel.3.cloned.1.call-start
scs
__scs_entry_jumppad:
0x0: {  	(pc) =	sbr.rel $0x88, $3  }
0x1: {  	(tag) =	ssettag $0x0;
	lr =	simm.s32 $0x1  }
0x2: {  	[smem:$0x3F9F] =	sst lr;
	_ =	strace $0xD0000000  }
0x3: {  	_ = 	snop  }
0x4: {  	_ = 	snop  }
0x5: {  	_ = 	snop  }
0x6: {  	_ = 	snop  }
0x7: {  	_ = 	snop  }
__scs_overlays_trampoline_lowered:
0x8: {  	[smem:$0x3FAE] =	sst s0  }
0x9: {  	[smem:$0x3FAF] =	sst s1  }
0xa: {  	[smem:$0x3FB0] =	sst s2  }
0xb: {  	[smem:$0x3FB1] =	sst s3  }
0xc: {  	[smem:$0x3FB2] =	sst s4  }
0xd: {  	[smem:$0x3FB3] =	sst s5  }
0xe: {  	[smem:$0x3FB4] =	sst s6  }
0xf: {  	[smem:$0x3FB5] =	sst s7  }
0x10: {  	[smem:$0x3FB6] =	sst s8  }
0x11: {  	[smem:$0x3FB7] =	sst s9;
	s0 =	simm.s32 @!p0 $0x0  }
0x12: {  	s1 =	sld [smem:$0x3F9D];
	s0 =	simm.s32 @p0 $0x1  }
0x13: {  	[smem:$0x3FB8] =	sst s0;
	s0 =	simm.s32 @!p1 $0x0  }
0x14: {  	s2 =	sld [smem:$0x3F9C];
	s0 =	simm.s32 @p1 $0x1  }
0x15: {  	[smem:$0x3FB9] =	sst s0;
	s0 =	simm.s32 @!p2 $0x0  }
0x16: {  	s3 =	sld [smem:$0x3FDB];
	s0 =	simm.s32 @p2 $0x1  }
0x17: {  	s4 =	simm.s32 $0x1BF5;
	[smem:$0x3FBB] =	sst s0  }
0x18: {  	s0 =	sld [smem:$0x3F9E];
	_ =	swait.ge [sflag:s4], $0x0  }
0x19: {  	s7 =	sld [smem:$0x3F9F]  }
0x1a: {  	s8 =	sadd.s32 $0xFFFFE003, lr  }
0x1b: {  	s9 =	sadd.s32 $0xFFFFFEF7, lr;
	s5 =	simm.s32 $0xFFFFFFFF;
	p2 =	slt.u32 s8, $0xFFFFF086  }
0x1c: {  	p1 =	slt.u32 s9, $0xF7A;
	s5 =	simm.s32 @!p2 $0x0  }
0x1d: {  	s5 =	simm.s32 @p1 $0x1;
	p0 =	seq.s32 s7, s2  }
0x1e: {  	s7 =	smul.u32 @!p0 $0xF7A, s2;
	p2 =	seq.s32 @!p0 s5, $0x0  }
0x1f: {  	s9 =	smul.u32 $0xF7A, s1;
	s8 =	simm.s32 @!p0 $0x1BF5;
	p2 =	por !p2, p0  }
0x20: {  	[sflag:s8] =	ssyncset.s32 @!p0 $0xFFFFF086;
	s6 =	sadd.s32 @!p0 s3, s7;
	s7 =	simm.s32 @!p0 $0x108  }
0x21: {  	s3 =	sadd.s32 s3, s9;
	s6 =	sadd.s32 @!p0 $0x88, s6;
	s7 =	simm.s32 @p2 $0x1082  }
0x22: {  	[simem:s7], [sflag:s8] =	dma.local @!p0 [hbm:s6], $0xF7A  }
0x23: {  	s9 =	sor.u32 $0xD0000000, s2;
	s6 =	simm.s32 $0x108;
	_ =	swait.ge @!p0 [sflag:s8], $0x0  }
0x24: {  	s3 =	sadd.s32 $0x88, s3;
	s6 =	simm.s32 @!p1 $0x1082;
	[sflag:s4] =	ssyncset.s32 $0xFFFFF086  }
0x25: {  	[simem:s6], [sflag:s4] =	dma.local [hbm:s3], $0xF7A  }
0x26: {  	[smem:$0x3F9F] =	sst s1;
	(tag) =	ssettag s2;
	_ =	strace s9  }
0x27: {  	s1 =	sld [smem:$0x3FAF]  }
0x28: {  	s2 =	sld [smem:$0x3FB0]  }
0x29: {  	s4 =	sld [smem:$0x3FB2]  }
0x2a: {  	p0 =	seq.s32 s5, $0x0;
	s5 =	sld [smem:$0x3FB3]  }
0x2b: {  	s6 =	sld [smem:$0x3FB4]  }
0x2c: {  	s7 =	sld [smem:$0x3FB5]  }
0x2d: {  	s3 =	simm.s32 $0x108;
	s8 =	sld [smem:$0x3FB6]  }
0x2e: {  	s3 =	simm.s32 @!p0 $0x1082;
	s9 =	sld [smem:$0x3FB7]  }
0x2f: {  	lr =	sadd.s32 s0, s3;
	s0 =	sld [smem:$0x3FAE]  }
0x30: {  	s3 =	sld [smem:$0x3FB1]  }
0x31: {  	[smem:$0x3FBA] =	sst s10  }
0x32: {  	s10 =	sld [smem:$0x3FB8];
	_ =	sdelay $0x3  }
0x33: {  	p0 =	seq.s32 s10, $0x1;
	s10 =	sld [smem:$0x3FBA];
	_ =	sdelay $0x3  }
0x34: {  	[smem:$0x3FBA] =	sst s10  }
0x35: {  	s10 =	sld [smem:$0x3FB9];
	_ =	sdelay $0x3  }
0x36: {  	p1 =	seq.s32 s10, $0x1;
	s10 =	sld [smem:$0x3FBA];
	_ =	sdelay $0x3  }
0x37: {  	[smem:$0x3FBA] =	sst s10  }
0x38: {  	s10 =	sld [smem:$0x3FBB]  }
0x39: {  	_ = 	snop;
	(pc) =	sbr.ind lr, $3  }
0x3a: {  	_ = 	snop  }
0x3b: {  	_ = 	snop  }
0x3c: {  	p2 =	seq.s32 s10, $0x1;
	s10 =	sld [smem:$0x3FBA]  }
0x3d: {  	_ =	shalt  }
0x3e: {  	_ =	shalt  }
0x3f: {  	_ =	shalt  }
0x40: {  	_ =	shalt  }
0x41: {  	_ =	shalt  }
0x42: {  	_ =	shalt  }
0x43: {  	_ =	shalt  }
0x44: {  	_ =	shalt  }
0x45: {  	_ =	shalt  }
0x46: {  	_ =	shalt  }
0x47: {  	_ =	shalt  }
0x48: {  	_ =	shalt  }
0x49: {  	_ =	shalt  }
0x4a: {  	_ =	shalt  }
0x4b: {  	_ =	shalt  }
0x4c: {  	_ =	shalt  }
0x4d: {  	_ =	shalt  }
0x4e: {  	_ =	shalt  }
0x4f: {  	_ =	shalt  }
0x50: {  	_ =	shalt  }
0x51: {  	_ =	shalt  }
0x52: {  	_ =	shalt  }
0x53: {  	_ =	shalt  }
0x54: {  	_ =	shalt  }
0x55: {  	_ =	shalt  }
0x56: {  	_ =	shalt  }
0x57: {  	_ =	shalt  }
0x58: {  	_ =	shalt  }
0x59: {  	_ =	shalt  }
0x5a: {  	_ =	shalt  }
0x5b: {  	_ =	shalt  }
0x5c: {  	_ =	shalt  }
0x5d: {  	_ =	shalt  }
0x5e: {  	_ =	shalt  }
0x5f: {  	_ =	shalt  }
0x60: {  	_ =	shalt  }
0x61: {  	_ =	shalt  }
0x62: {  	_ =	shalt  }
0x63: {  	_ =	shalt  }
0x64: {  	_ =	shalt  }
0x65: {  	_ =	shalt  }
0x66: {  	_ =	shalt  }
0x67: {  	_ =	shalt  }
0x68: {  	_ =	shalt  }
0x69: {  	_ =	shalt  }
0x6a: {  	_ =	shalt  }
0x6b: {  	_ =	shalt  }
0x6c: {  	_ =	shalt  }
0x6d: {  	_ =	shalt  }
0x6e: {  	_ =	shalt  }
0x6f: {  	_ =	shalt  }
0x70: {  	_ =	shalt  }
0x71: {  	_ =	shalt  }
0x72: {  	_ =	shalt  }
0x73: {  	_ =	shalt  }
0x74: {  	_ =	shalt  }
0x75: {  	_ =	shalt  }
0x76: {  	_ =	shalt  }
0x77: {  	_ =	shalt  }
0x78: {  	_ =	shalt  }
0x79: {  	_ =	shalt  }
0x7a: {  	_ =	shalt  }
0x7b: {  	_ =	shalt  }
0x7c: {  	_ =	shalt  }
0x7d: {  	_ =	shalt  }
0x7e: {  	_ =	shalt  }
0x7f: {  	_ =	shalt  }
0x80: {  	_ =	shalt  }
0x81: {  	_ =	shalt  }
0x82: {  	_ =	shalt  }
0x83: {  	_ =	shalt  }
0x84: {  	_ =	shalt  }
0x85: {  	_ =	shalt  }
0x86: {  	_ =	shalt  }
0x87: {  	_ =	shalt  }
.Lfunc_end0:
.L_simem_size_0:
called_computation_lowered:
.L_overlay_start_0:
0x88: {  	s2 =	sld [smem:$0x3FD9]  }
0x89: {  	s3 =	sld [smem:$0x3FFE];
	_ =	sdelay $0x1  }
0x8a: {  	s1 =	srdreg.scid  }
0x8b: {  	s0 =	sand.u32 $0x1, s1  }
0x8c: {  	s17 =	sshll.u32 s0, $0xA;
	s2 =	sadd.s32 s3, s2  }
0x8d: {  	s2 =	sadd.s32 s2, s17  }
0x8e: {  	[smem:$0x3FC6] =	sst s2  }
0x8f: {  	_ = 	snop  }
0x90: {  	s2 =	sld [smem:$0x3FD0];
	(tm) =	ssettm $0x1  }
0x91: {  	s18 =	sld [smem:$0x3FFB];
	_ =	sdelay $0x3  }
0x92: {  	_ =	strace s18  }
0x93: {  	s3 =	sld [smem:$0x3FFC];
	_ =	sdelay $0x3  }
0x94: {  	_ =	strace s3  }
0x95: {  	s3 =	sld [smem:$0x3FFD];
	_ =	sdelay $0x3  }
0x96: {  	_ =	strace s3  }
0x97: {  	_ =	strace $0x8FFFFFFF  }
0x98: {  	s19 =	sld [smem:$0x3FDB];
	_ =	sdelay $0x1  }
0x99: {  	s4 =	simm.s32 $_scs_section_size  }
0x9a: {  	s5 =	simm.s32 $_size__tile_overlayer_lowered;
	s6 =	simm.s32 $_tile_overlayer_lowered  }
0x9b: {  	s22 =	simm.s32 $0x1BFF;
	s21 =	sshll.u32 s6, $0x1;
	s3 =	sadd.s32 s4, s19  }
0x9c: {  	s7 =	simm.s32 $0x0;
	s20 =	sshll.u32 s5, $0x1;
	s5 =	sadd.s32 s21, s3  }
0x9d: {  	[timem:s7], [sflag:s22] =	dma.local [hbm:s5], s20  }
0x9e: {  	_ =	swait.ge [sflag:s22], s20  }
0x9f: {  	s4 =	ssub.s32 $0x0, s20;
	[sflag:s22] =	ssyncset.done $0x0  }
0xa0: {  	[sflag:s22] =	ssyncadd.s32 s4;
	_ =	sdelay $0x1  }
0xa1: {  	s23 =	simm.s32 $0x1B8B  }
0xa2: {  	_ =	swait.ge [sflag:s23], $0x1  }
0xa3: {  	[sflag:s23] =	ssyncset.done $0x0  }
0xa4: {  	s25 =	simm.s32 $0x1B8E;
	s24 =	sld [smem:$0x3FFE];
	[sflag:s23] =	ssyncadd.s32 $0xFFFFFFFF  }
0xa5: {  	s26 =	simm.s32 $execute0_lowered;
	[smem:$0x3FD2] =	sst s25  }
0xa6: {  	s5 =	sshll.u32 s26, $0x1;
	_ =	strace $0x80000046;
	[dreg:$0x1] =	wrdreg $0xFFFFFFFF  }
0xa7: {  	s28 =	simm.s32 $_size_execute0_lowered;
	s3 =	sadd.s32 s3, s5;
	[dreg:$0x0] =	wrdreg $0x0  }
0xa8: {  	s5 =	sshll.u32 s28, $0x1;
	[dreg:$0x2] =	wrdreg s3  }
0xa9: {  	[dreg:$0x3] =	wrdreg s5  }
0xaa: {  	[dreg:$0x4] =	wrdreg $0xC0  }
0xab: {  	_ =	task [dreg:s7], $0x5FFFF  }
0xac: {  	[dreg:$0x1] =	wrdreg $0xFFFFFFFF  }
0xad: {  	[dreg:$0x0] =	wrdreg $0x60  }
0xae: {  	[dreg:$0x2] =	wrdreg s24  }
0xaf: {  	[dreg:$0x3] =	wrdreg s2  }
0xb0: {  	[dreg:$0x4] =	wrdreg $0x9  }
0xb1: {  	_ =	task.clear_ibuf [dreg:s7], $0x5FFFF;
	_ =	strace $0x90000046  }
0xb2: {  	s29 =	simm.s32 $0x9;
	_ =	strace $0x80000048  }
0xb3: {  	_ =	swait.ge [sflag:s29], $0x1  }
0xb4: {  	[sflag:s29] =	ssyncadd.s32 $0xFFFFFFFF  }
0xb5: {  	_ =	strace $0x90000048  }
0xb6: {  	_ =	sfence  }
0xb7: {  	s30 =	sld [smem:$0x0];
	_ =	sdelay $0x2  }
0xb8: {  	s31 =	sshll.u32 s1, $0xD;
	s1 =	sshrl.u32 s1, $0x2  }
0xb9: {  	s3 =	sand.u32 $0x4000, s31;
	s1 =	sadd.s32 s1, s30  }
0xba: {  	s0 =	sor.u32 s3, s0;
	s1 =	sshll.u32 s1, $0x11  }
0xbb: {  	s0 =	sor.u32 s1, s0  }
0xbc: {  	s0 =	sadd.s32 $0x8F2B, s0  }
0xbd: {  	[sflag:s0] =	ssyncadd.remote.s32 $0x1  }
0xbe: {  	_ =	sfence.sel $0xFFFF  }
0xbf: {  	[dreg:$0x0] =	wrdreg $0xFFFFFFFF;
	(pc) =	sbr.abs _section_cstart, $3  }
0xc0: {  	[dreg:$0x1] =	wrdreg $0xFFFFFFFF  }
0xc1: {  	_ =	task.clear_ibuf [dreg:s7], $0x2FFFF;
	_ =	strace $0x9FFFFFFF  }
0xc2: {  	(tm) =	ssettm $0x7FFFFFFF  }
0xc3: {  	_ =	shalt  }
tec
execute0_lowered:
.L_overlay_start_1:
0x0: {  	(tag) =	ssettag $0x1  }
0x1: {  	s0 =	rddreg [dreg:$0x0]  }
0x2: {  	s4 =	rddreg [dreg:$0x1];
	s2 =	simm.s32 $0x0;
	s1 =	srdreg.scid  }
0x3: {  	s6 =	stileid.u32;
	s23 =	simm.s32 $0x1;
	s29 =	simm.s32 $0x13000  }
0x4: {  	s30 =	simm.s32 $0x13400;
	s31 =	simm.s32 $0x13800;
	[smem:$0x7FF] =	sst s2  }
0x5: {  	s1 =	sand.u32 $0x1, s1;
	s3 =	sadd.s32 $0x400, s0;
	s5 =	sadd.s32 $0x2400, s0  }
0x6: {  	s28 =	sshll.u32 s6, $0x6;
	s7 =	sadd.s32 $0x20000, s4;
	s8 =	sadd.s32 $0x40000, s4  }
0x7: {  	s9 =	sadd.s32 $0x60000, s4;
	s10 =	sadd.s32 $0x80000, s4;
	s11 =	sadd.s32 $0xA0000, s4  }
0x8: {  	s12 =	sadd.s32 $0xC0000, s4;
	s13 =	sadd.s32 $0xE0000, s4;
	s14 =	sadd.s32 $0x100000, s4  }
0x9: {  	s15 =	sadd.s32 $0x120000, s4;
	s16 =	sadd.s32 $0x140000, s4;
	s17 =	sadd.s32 $0x160000, s4  }
0xa: {  	s18 =	sadd.s32 $0x180000, s4;
	s19 =	sadd.s32 $0x1A0000, s4;
	s25 =	ssub.s32 $0x2, s1  }
0xb: {  	s20 =	sadd.s32 $0x1C0000, s4;
	s21 =	sadd.s32 $0x1E0000, s4;
	s26 =	sshrl.u32 s25, $0x1  }
0xc: {  	_ =	strace $0x80000047;
	[dreg:$0x3] =	wrdreg s3;
	s0 =	ssub.s32 s25, s26  }
0xd: {  	s1 =	sshll.u32 s1, $0x5;
	s3 =	simm.s32 $0x0;
	s0 =	smax.u32 s0, $0x1  }
0xe: {  	s6 =	sor.u32 s1, s28;
	[dreg:$0x4] =	wrdreg s0;
	s0 =	simm.s32 $0x13C00  }
.LBB2_1:
0xf: {  	[dreg:$0x5] =	wrdreg s3  }
0x10: {  	s1 =	rddreg [dreg:$0x3]  }
0x11: {  	[tilespmem:s2], [sflag:$0x1] =	stream.linear.gather [hbm4b:s1+s2], $0xF880, $0x38;
	[tilespmem:$0x13C80] =	vst v63  }
0x12: {  	_ =	swait.ge [sflag:s23], $0xF880  }
0x13: {  	[sflag:s23] =	ssyncset.done $0x0  }
0x14: {  	s3 =	simm.s32 $0x0;
	[sflag:s23] =	ssyncadd.s32 $0xFFFF0780  }
.LBB2_2:
0x15: {  	s1 =	sadd.s32 s6, s3  }
0x16: {  	s4 =	sshll.u32 s1, $0x7  }
0x17: {  	s22 =	simm.s32 $0x0;
	s1 =	simm.s32 $0xF880;
	s24 =	sadd.s32 s5, s4  }
0x18: {  	[tilespmem:s1], [sflag:$0x1] =	stream.linear.gather [hbm4b:s24+s22], $0x400, $0x38;
	[tilespmem:$0x13C80] =	vst v63  }
0x19: {  	_ =	swait.ge [sflag:s23], $0x400  }
0x1a: {  	[sflag:s23] =	ssyncset.done $0x0  }
0x1b: {  	[sflag:s23] =	ssyncadd.s32 $0xFFFFFC00  }
0x1c: {  	v0 =	vld [tilespmem:s1+$0x0];
	_ =	sdelay $0x7  }
0x1d: {  	v1 =	vld.idx.msk [tilespmem:v0+s2+$0x0], $0xffff  }
0x1e: {  	v2 =	vadd.s32 $0xF81, v0;
	_ =	sdelay $0x1  }
0x1f: {  	s26 =	sand.u32 $0x70, s22;
	s25 =	sand.u32 $0x1C00, s22  }
0x20: {  	s24 =	sor.u32 s26, s25  }
0x21: {  	[tilespmem:s24+$0xFC80] =	vst v1  }
0x22: {  	v1 =	vld.idx.msk [tilespmem:v2+s2+$0x0], $0xffff  }
0x23: {  	v2 =	vadd.s32 $0x1F02, v0;
	_ =	sdelay $0x3  }
0x24: {  	[tilespmem:s24+$0xFD00] =	vst v1  }
0x25: {  	v1 =	vld.idx.msk [tilespmem:v2+s2+$0x0], $0xffff  }
0x26: {  	v2 =	vadd.s32 $0x2E83, v0;
	_ =	sdelay $0x3  }
0x27: {  	[tilespmem:s24+$0xFD80] =	vst v1  }
0x28: {  	v1 =	vld.idx.msk [tilespmem:v2+s2+$0x0], $0xffff  }
0x29: {  	v2 =	vadd.s32 $0x3E04, v0;
	_ =	sdelay $0x3  }
0x2a: {  	[tilespmem:s24+$0xFE00] =	vst v1  }
0x2b: {  	v1 =	vld.idx.msk [tilespmem:v2+s2+$0x0], $0xffff  }
0x2c: {  	v2 =	vadd.s32 $0x4D85, v0;
	_ =	sdelay $0x3  }
0x2d: {  	[tilespmem:s24+$0xFE80] =	vst v1  }
0x2e: {  	v1 =	vld.idx.msk [tilespmem:v2+s2+$0x0], $0xffff  }
0x2f: {  	v2 =	vadd.s32 $0x5D06, v0;
	_ =	sdelay $0x3  }
0x30: {  	[tilespmem:s24+$0xFF00] =	vst v1  }
0x31: {  	v1 =	vld.idx.msk [tilespmem:v2+s2+$0x0], $0xffff  }
0x32: {  	v2 =	vadd.s32 $0x6C87, v0;
	_ =	sdelay $0x3  }
0x33: {  	[tilespmem:s24+$0xFF80] =	vst v1  }
0x34: {  	v1 =	vld.idx.msk [tilespmem:v2+s2+$0x0], $0xffff  }
0x35: {  	v2 =	vadd.s32 $0x7C08, v0;
	_ =	sdelay $0x1  }
0x36: {  	s28 =	sor.u32 s22, s22  }
0x37: {  	s25 =	sor.u32 $0x380, s28  }
0x38: {  	[tilespmem:s25+$0xFC80] =	vst v1  }
0x39: {  	v1 =	vld.idx.msk [tilespmem:v2+s2+$0x0], $0xffff  }
0x3a: {  	v2 =	vadd.s32 $0x8B89, v0;
	_ =	sdelay $0x3  }
0x3b: {  	[tilespmem:s24+$0x11C80] =	vst v1  }
0x3c: {  	v1 =	vld.idx.msk [tilespmem:v2+s2+$0x0], $0xffff  }
0x3d: {  	v2 =	vadd.s32 $0x9B0A, v0;
	_ =	sdelay $0x3  }
0x3e: {  	[tilespmem:s24+$0x11D00] =	vst v1  }
0x3f: {  	v1 =	vld.idx.msk [tilespmem:v2+s2+$0x0], $0xffff  }
0x40: {  	v2 =	vadd.s32 $0xAA8B, v0;
	_ =	sdelay $0x3  }
0x41: {  	[tilespmem:s24+$0x11D80] =	vst v1  }
0x42: {  	v1 =	vld.idx.msk [tilespmem:v2+s2+$0x0], $0xffff  }
0x43: {  	v2 =	vadd.s32 $0xBA0C, v0;
	_ =	sdelay $0x3  }
0x44: {  	[tilespmem:s24+$0x11E00] =	vst v1  }
0x45: {  	v1 =	vld.idx.msk [tilespmem:v2+s2+$0x0], $0xffff  }
0x46: {  	v2 =	vadd.s32 $0xC98D, v0;
	_ =	sdelay $0x3  }
0x47: {  	[tilespmem:s24+$0x11E80] =	vst v1  }
0x48: {  	v1 =	vld.idx.msk [tilespmem:v2+s2+$0x0], $0xffff  }
0x49: {  	v2 =	vadd.s32 $0xD90E, v0;
	_ =	sdelay $0x3  }
0x4a: {  	[tilespmem:s24+$0x11F00] =	vst v1  }
0x4b: {  	v1 =	vld.idx.msk [tilespmem:v2+s2+$0x0], $0xffff  }
0x4c: {  	v0 =	vadd.s32 $0xE88F, v0;
	_ =	sdelay $0x3  }
0x4d: {  	[tilespmem:s24+$0x11F80] =	vst v1  }
0x4e: {  	s25 =	simm.s32 $0x10;
	v0 =	vld.idx.msk [tilespmem:v0+s2+$0x0], $0xffff  }
.LBB2_3:
0x4f: {  	_ =	sdelay $0x3  }
0x50: {  	p0 =	sne.s32 s25, $0x3F0;
	s22 =	sadd.s32 $0x80, s22;
	s1 =	sadd.s32 $0x10, s1;
	[tilespmem:s24+$0x12000] =	vst v0  }
0x51: {  	s26 =	smov.u32 s25;
	s25 =	sadd.s32 $0x10, s25;
	v0 =	vld [tilespmem:s1+$0x0];
	_ =	sdelay $0x7  }
0x52: {  	v1 =	vld.idx.msk [tilespmem:v0+s2+$0x0], $0xffff;
	_ =	sdelay $0x1  }
0x53: {  	v2 =	vadd.s32 $0xF81, v0;
	_ =	sdelay $0x1  }
0x54: {  	s28 =	sand.u32 $0x1C00, s22;
	s24 =	sand.u32 $0x70, s26  }
0x55: {  	s24 =	sor.u32 s24, s28  }
0x56: {  	[tilespmem:s24+$0xFC80] =	vst v1  }
0x57: {  	v1 =	vld.idx.msk [tilespmem:v2+s2+$0x0], $0xffff;
	_ =	sdelay $0x1  }
0x58: {  	v2 =	vadd.s32 $0x1F02, v0;
	_ =	sdelay $0x3  }
0x59: {  	[tilespmem:s24+$0xFD00] =	vst v1  }
0x5a: {  	v1 =	vld.idx.msk [tilespmem:v2+s2+$0x0], $0xffff;
	_ =	sdelay $0x1  }
0x5b: {  	v2 =	vadd.s32 $0x2E83, v0;
	_ =	sdelay $0x3  }
0x5c: {  	[tilespmem:s24+$0xFD80] =	vst v1  }
0x5d: {  	v1 =	vld.idx.msk [tilespmem:v2+s2+$0x0], $0xffff;
	_ =	sdelay $0x1  }
0x5e: {  	v2 =	vadd.s32 $0x3E04, v0;
	_ =	sdelay $0x3  }
0x5f: {  	[tilespmem:s24+$0xFE00] =	vst v1  }
0x60: {  	v1 =	vld.idx.msk [tilespmem:v2+s2+$0x0], $0xffff;
	_ =	sdelay $0x1  }
0x61: {  	v2 =	vadd.s32 $0x4D85, v0;
	_ =	sdelay $0x3  }
0x62: {  	[tilespmem:s24+$0xFE80] =	vst v1  }
0x63: {  	v1 =	vld.idx.msk [tilespmem:v2+s2+$0x0], $0xffff;
	_ =	sdelay $0x1  }
0x64: {  	v2 =	vadd.s32 $0x5D06, v0;
	_ =	sdelay $0x3  }
0x65: {  	[tilespmem:s24+$0xFF00] =	vst v1  }
0x66: {  	v1 =	vld.idx.msk [tilespmem:v2+s2+$0x0], $0xffff;
	_ =	sdelay $0x1  }
0x67: {  	v2 =	vadd.s32 $0x6C87, v0;
	_ =	sdelay $0x3  }
0x68: {  	[tilespmem:s24+$0xFF80] =	vst v1  }
0x69: {  	v1 =	vld.idx.msk [tilespmem:v2+s2+$0x0], $0xffff;
	_ =	sdelay $0x1  }
0x6a: {  	v2 =	vadd.s32 $0x7C08, v0;
	_ =	sdelay $0x1  }
0x6b: {  	s26 =	sor.u32 s22, s26  }
0x6c: {  	s26 =	sor.u32 $0x380, s26  }
0x6d: {  	[tilespmem:s26+$0xFC80] =	vst v1  }
0x6e: {  	v1 =	vld.idx.msk [tilespmem:v2+s2+$0x0], $0xffff;
	_ =	sdelay $0x1  }
0x6f: {  	v2 =	vadd.s32 $0x8B89, v0;
	_ =	sdelay $0x3  }
0x70: {  	[tilespmem:s24+$0x11C80] =	vst v1  }
0x71: {  	v1 =	vld.idx.msk [tilespmem:v2+s2+$0x0], $0xffff;
	_ =	sdelay $0x1  }
0x72: {  	v2 =	vadd.s32 $0x9B0A, v0;
	_ =	sdelay $0x3  }
0x73: {  	[tilespmem:s24+$0x11D00] =	vst v1  }
0x74: {  	v1 =	vld.idx.msk [tilespmem:v2+s2+$0x0], $0xffff;
	_ =	sdelay $0x1  }
0x75: {  	v2 =	vadd.s32 $0xAA8B, v0;
	_ =	sdelay $0x3  }
0x76: {  	[tilespmem:s24+$0x11D80] =	vst v1  }
0x77: {  	v1 =	vld.idx.msk [tilespmem:v2+s2+$0x0], $0xffff;
	_ =	sdelay $0x1  }
0x78: {  	v2 =	vadd.s32 $0xBA0C, v0;
	_ =	sdelay $0x3  }
0x79: {  	[tilespmem:s24+$0x11E00] =	vst v1  }
0x7a: {  	v1 =	vld.idx.msk [tilespmem:v2+s2+$0x0], $0xffff;
	_ =	sdelay $0x1  }
0x7b: {  	v2 =	vadd.s32 $0xC98D, v0;
	_ =	sdelay $0x3  }
0x7c: {  	[tilespmem:s24+$0x11E80] =	vst v1  }
0x7d: {  	v1 =	vld.idx.msk [tilespmem:v2+s2+$0x0], $0xffff;
	_ =	sdelay $0x1  }
0x7e: {  	v2 =	vadd.s32 $0xD90E, v0;
	_ =	sdelay $0x3  }
0x7f: {  	[tilespmem:s24+$0x11F00] =	vst v1  }
0x80: {  	v1 =	vld.idx.msk [tilespmem:v2+s2+$0x0], $0xffff;
	_ =	sdelay $0x1  }
0x81: {  	v0 =	vadd.s32 $0xE88F, v0  }
.Ltmp0:
0x82: {  	(pc) =	sbr.rel @p0 .LBB2_3-.Ltmp0, $3  }
0x83: {  	_ =	sdelay $0x1  }
0x84: {  	[tilespmem:s24+$0x11F80] =	vst v1  }
0x85: {  	v0 =	vld.idx.msk [tilespmem:v0+s2+$0x0], $0xffff  }
0x86: {  	_ = 	snop  }
0x87: {  	s1 =	sshll.u32 s3, $0x4  }
0x88: {  	s4 =	sand.u32 $0x1FC00, s4;
	s1 =	sand.u32 $0x70, s1  }
0x89: {  	s25 =	rddreg [dreg:$0x1];
	s4 =	sor.u32 s1, s4  }
0x8a: {  	s22 =	simm.s32 $0xFC80;
	s1 =	sadd.s32 s25, s4;
	[tilespmem:s24+$0x12000] =	vst v0  }
0x8b: {  	[hbm4b:s1+s2] =	stream.linear.scatter [tilespmem:s22], [sflag:$0x1], $0x80, $0x38;
	[tilespmem:$0x13C80] =	vst v63  }
0x8c: {  	s28 =	simm.s32 $0x10080;
	s26 =	sadd.s32 $0x80, s1  }
0x8d: {  	[hbm4b:s26+s2] =	stream.linear.scatter [tilespmem:s28], [sflag:$0x1], $0x80, $0x38;
	[tilespmem:$0x13C80] =	vst v63  }
0x8e: {  	s25 =	simm.s32 $0x10480;
	s24 =	sadd.s32 $0x100, s1  }
0x8f: {  	[hbm4b:s24+s2] =	stream.linear.scatter [tilespmem:s25], [sflag:$0x1], $0x80, $0x38;
	[tilespmem:$0x13C80] =	vst v63  }
0x90: {  	s26 =	sadd.s32 $0x180, s1;
	s28 =	simm.s32 $0x10880  }
0x91: {  	[hbm4b:s26+s2] =	stream.linear.scatter [tilespmem:s28], [sflag:$0x1], $0x80, $0x38;
	[tilespmem:$0x13C80] =	vst v63  }
0x92: {  	s24 =	sadd.s32 $0x200, s1;
	s25 =	simm.s32 $0x10C80  }
0x93: {  	[hbm4b:s24+s2] =	stream.linear.scatter [tilespmem:s25], [sflag:$0x1], $0x80, $0x38;
	[tilespmem:$0x13C80] =	vst v63  }
0x94: {  	s26 =	sadd.s32 $0x280, s1;
	s28 =	simm.s32 $0x11080  }
0x95: {  	[hbm4b:s26+s2] =	stream.linear.scatter [tilespmem:s28], [sflag:$0x1], $0x80, $0x38;
	[tilespmem:$0x13C80] =	vst v63  }
0x96: {  	s24 =	sadd.s32 $0x300, s1;
	s25 =	simm.s32 $0x11480  }
0x97: {  	[hbm4b:s24+s2] =	stream.linear.scatter [tilespmem:s25], [sflag:$0x1], $0x80, $0x38;
	[tilespmem:$0x13C80] =	vst v63  }
0x98: {  	s1 =	sadd.s32 $0x380, s1;
	s26 =	simm.s32 $0x11880  }
0x99: {  	[hbm4b:s1+s2] =	stream.linear.scatter [tilespmem:s26], [sflag:$0x1], $0x80, $0x38;
	[tilespmem:$0x13C80] =	vst v63  }
0x9a: {  	_ =	swait.ge [sflag:s23], $0x400  }
0x9b: {  	[sflag:s23] =	ssyncset.done $0x0  }
0x9c: {  	s28 =	simm.s32 $0xFD00;
	s1 =	sadd.s32 s4, s7;
	[sflag:s23] =	ssyncadd.s32 $0xFFFFFC00  }
0x9d: {  	[hbm4b:s1+s2] =	stream.linear.scatter [tilespmem:s28], [sflag:$0x1], $0x80, $0x38;
	[tilespmem:$0x13C80] =	vst v63  }
0x9e: {  	s25 =	simm.s32 $0x10100;
	s24 =	sadd.s32 $0x80, s1  }
0x9f: {  	[hbm4b:s24+s2] =	stream.linear.scatter [tilespmem:s25], [sflag:$0x1], $0x80, $0x38;
	[tilespmem:$0x13C80] =	vst v63  }
0xa0: {  	s26 =	sadd.s32 $0x100, s1;
	s28 =	simm.s32 $0x10500  }
0xa1: {  	[hbm4b:s26+s2] =	stream.linear.scatter [tilespmem:s28], [sflag:$0x1], $0x80, $0x38;
	[tilespmem:$0x13C80] =	vst v63  }
0xa2: {  	s24 =	sadd.s32 $0x180, s1;
	s25 =	simm.s32 $0x10900  }
0xa3: {  	[hbm4b:s24+s2] =	stream.linear.scatter [tilespmem:s25], [sflag:$0x1], $0x80, $0x38;
	[tilespmem:$0x13C80] =	vst v63  }
0xa4: {  	s26 =	sadd.s32 $0x200, s1;
	s28 =	simm.s32 $0x10D00  }
0xa5: {  	[hbm4b:s26+s2] =	stream.linear.scatter [tilespmem:s28], [sflag:$0x1], $0x80, $0x38;
	[tilespmem:$0x13C80] =	vst v63  }
0xa6: {  	s24 =	sadd.s32 $0x280, s1;
	s25 =	simm.s32 $0x11100  }
0xa7: {  	[hbm4b:s24+s2] =	stream.linear.scatter [tilespmem:s25], [sflag:$0x1], $0x80, $0x38;
	[tilespmem:$0x13C80] =	vst v63  }
0xa8: {  	s26 =	sadd.s32 $0x300, s1;
	s28 =	simm.s32 $0x11500  }
0xa9: {  	[hbm4b:s26+s2] =	stream.linear.scatter [tilespmem:s28], [sflag:$0x1], $0x80, $0x38;
	[tilespmem:$0x13C80] =	vst v63  }
0xaa: {  	s1 =	sadd.s32 $0x380, s1;
	s24 =	simm.s32 $0x11900  }
0xab: {  	[hbm4b:s1+s2] =	stream.linear.scatter [tilespmem:s24], [sflag:$0x1], $0x80, $0x38;
	[tilespmem:$0x13C80] =	vst v63  }
0xac: {  	_ =	swait.ge [sflag:s23], $0x400  }
0xad: {  	[sflag:s23] =	ssyncset.done $0x0  }
0xae: {  	s25 =	simm.s32 $0xFD80;
	s1 =	sadd.s32 s4, s8;
	[sflag:s23] =	ssyncadd.s32 $0xFFFFFC00  }
0xaf: {  	[hbm4b:s1+s2] =	stream.linear.scatter [tilespmem:s25], [sflag:$0x1], $0x80, $0x38;
	[tilespmem:$0x13C80] =	vst v63  }
0xb0: {  	s28 =	simm.s32 $0x10180;
	s26 =	sadd.s32 $0x80, s1  }
0xb1: {  	[hbm4b:s26+s2] =	stream.linear.scatter [tilespmem:s28], [sflag:$0x1], $0x80, $0x38;
	[tilespmem:$0x13C80] =	vst v63  }
0xb2: {  	s24 =	sadd.s32 $0x100, s1;
	s25 =	simm.s32 $0x10580  }
0xb3: {  	[hbm4b:s24+s2] =	stream.linear.scatter [tilespmem:s25], [sflag:$0x1], $0x80, $0x38;
	[tilespmem:$0x13C80] =	vst v63  }
0xb4: {  	s26 =	sadd.s32 $0x180, s1;
	s28 =	simm.s32 $0x10980  }
0xb5: {  	[hbm4b:s26+s2] =	stream.linear.scatter [tilespmem:s28], [sflag:$0x1], $0x80, $0x38;
	[tilespmem:$0x13C80] =	vst v63  }
0xb6: {  	s24 =	sadd.s32 $0x200, s1;
	s25 =	simm.s32 $0x10D80  }
0xb7: {  	[hbm4b:s24+s2] =	stream.linear.scatter [tilespmem:s25], [sflag:$0x1], $0x80, $0x38;
	[tilespmem:$0x13C80] =	vst v63  }
0xb8: {  	s26 =	sadd.s32 $0x280, s1;
	s28 =	simm.s32 $0x11180  }
0xb9: {  	[hbm4b:s26+s2] =	stream.linear.scatter [tilespmem:s28], [sflag:$0x1], $0x80, $0x38;
	[tilespmem:$0x13C80] =	vst v63  }
0xba: {  	s24 =	sadd.s32 $0x300, s1;
	s25 =	simm.s32 $0x11580  }
0xbb: {  	[hbm4b:s24+s2] =	stream.linear.scatter [tilespmem:s25], [sflag:$0x1], $0x80, $0x38;
	[tilespmem:$0x13C80] =	vst v63  }
0xbc: {  	s1 =	sadd.s32 $0x380, s1;
	s26 =	simm.s32 $0x11980  }
0xbd: {  	[hbm4b:s1+s2] =	stream.linear.scatter [tilespmem:s26], [sflag:$0x1], $0x80, $0x38;
	[tilespmem:$0x13C80] =	vst v63  }
0xbe: {  	_ =	swait.ge [sflag:s23], $0x400  }
0xbf: {  	[sflag:s23] =	ssyncset.done $0x0  }
0xc0: {  	s28 =	simm.s32 $0xFE00;
	s1 =	sadd.s32 s4, s9;
	[sflag:s23] =	ssyncadd.s32 $0xFFFFFC00  }
0xc1: {  	[hbm4b:s1+s2] =	stream.linear.scatter [tilespmem:s28], [sflag:$0x1], $0x80, $0x38;
	[tilespmem:$0x13C80] =	vst v63  }
0xc2: {  	s25 =	simm.s32 $0x10200;
	s24 =	sadd.s32 $0x80, s1  }
0xc3: {  	[hbm4b:s24+s2] =	stream.linear.scatter [tilespmem:s25], [sflag:$0x1], $0x80, $0x38;
	[tilespmem:$0x13C80] =	vst v63  }
0xc4: {  	s26 =	sadd.s32 $0x100, s1;
	s28 =	simm.s32 $0x10600  }
0xc5: {  	[hbm4b:s26+s2] =	stream.linear.scatter [tilespmem:s28], [sflag:$0x1], $0x80, $0x38;
	[tilespmem:$0x13C80] =	vst v63  }
0xc6: {  	s24 =	sadd.s32 $0x180, s1;
	s25 =	simm.s32 $0x10A00  }
0xc7: {  	[hbm4b:s24+s2] =	stream.linear.scatter [tilespmem:s25], [sflag:$0x1], $0x80, $0x38;
	[tilespmem:$0x13C80] =	vst v63  }
0xc8: {  	s26 =	sadd.s32 $0x200, s1;
	s28 =	simm.s32 $0x10E00  }
0xc9: {  	[hbm4b:s26+s2] =	stream.linear.scatter [tilespmem:s28], [sflag:$0x1], $0x80, $0x38;
	[tilespmem:$0x13C80] =	vst v63  }
0xca: {  	s24 =	sadd.s32 $0x280, s1;
	s25 =	simm.s32 $0x11200  }
0xcb: {  	[hbm4b:s24+s2] =	stream.linear.scatter [tilespmem:s25], [sflag:$0x1], $0x80, $0x38;
	[tilespmem:$0x13C80] =	vst v63  }
0xcc: {  	s26 =	sadd.s32 $0x300, s1;
	s28 =	simm.s32 $0x11600  }
0xcd: {  	[hbm4b:s26+s2] =	stream.linear.scatter [tilespmem:s28], [sflag:$0x1], $0x80, $0x38;
	[tilespmem:$0x13C80] =	vst v63  }
0xce: {  	s1 =	sadd.s32 $0x380, s1;
	s24 =	simm.s32 $0x11A00  }
0xcf: {  	[hbm4b:s1+s2] =	stream.linear.scatter [tilespmem:s24], [sflag:$0x1], $0x80, $0x38;
	[tilespmem:$0x13C80] =	vst v63  }
0xd0: {  	_ =	swait.ge [sflag:s23], $0x400  }
0xd1: {  	[sflag:s23] =	ssyncset.done $0x0  }
0xd2: {  	s25 =	simm.s32 $0xFE80;
	s1 =	sadd.s32 s4, s10;
	[sflag:s23] =	ssyncadd.s32 $0xFFFFFC00  }
0xd3: {  	[hbm4b:s1+s2] =	stream.linear.scatter [tilespmem:s25], [sflag:$0x1], $0x80, $0x38;
	[tilespmem:$0x13C80] =	vst v63  }
0xd4: {  	s28 =	simm.s32 $0x10280;
	s26 =	sadd.s32 $0x80, s1  }
0xd5: {  	[hbm4b:s26+s2] =	stream.linear.scatter [tilespmem:s28], [sflag:$0x1], $0x80, $0x38;
	[tilespmem:$0x13C80] =	vst v63  }
0xd6: {  	s24 =	sadd.s32 $0x100, s1;
	s25 =	simm.s32 $0x10680  }
0xd7: {  	[hbm4b:s24+s2] =	stream.linear.scatter [tilespmem:s25], [sflag:$0x1], $0x80, $0x38;
	[tilespmem:$0x13C80] =	vst v63  }
0xd8: {  	s26 =	sadd.s32 $0x180, s1;
	s28 =	simm.s32 $0x10A80  }
0xd9: {  	[hbm4b:s26+s2] =	stream.linear.scatter [tilespmem:s28], [sflag:$0x1], $0x80, $0x38;
	[tilespmem:$0x13C80] =	vst v63  }
0xda: {  	s24 =	sadd.s32 $0x200, s1;
	s25 =	simm.s32 $0x10E80  }
0xdb: {  	[hbm4b:s24+s2] =	stream.linear.scatter [tilespmem:s25], [sflag:$0x1], $0x80, $0x38;
	[tilespmem:$0x13C80] =	vst v63  }
0xdc: {  	s26 =	sadd.s32 $0x280, s1;
	s28 =	simm.s32 $0x11280  }
0xdd: {  	[hbm4b:s26+s2] =	stream.linear.scatter [tilespmem:s28], [sflag:$0x1], $0x80, $0x38;
	[tilespmem:$0x13C80] =	vst v63  }
0xde: {  	s24 =	sadd.s32 $0x300, s1;
	s25 =	simm.s32 $0x11680  }
0xdf: {  	[hbm4b:s24+s2] =	stream.linear.scatter [tilespmem:s25], [sflag:$0x1], $0x80, $0x38;
	[tilespmem:$0x13C80] =	vst v63  }
0xe0: {  	s1 =	sadd.s32 $0x380, s1;
	s26 =	simm.s32 $0x11A80  }
0xe1: {  	[hbm4b:s1+s2] =	stream.linear.scatter [tilespmem:s26], [sflag:$0x1], $0x80, $0x38;
	[tilespmem:$0x13C80] =	vst v63  }
0xe2: {  	_ =	swait.ge [sflag:s23], $0x400  }
0xe3: {  	[sflag:s23] =	ssyncset.done $0x0  }
0xe4: {  	s28 =	simm.s32 $0xFF00;
	s1 =	sadd.s32 s4, s11;
	[sflag:s23] =	ssyncadd.s32 $0xFFFFFC00  }
0xe5: {  	[hbm4b:s1+s2] =	stream.linear.scatter [tilespmem:s28], [sflag:$0x1], $0x80, $0x38;
	[tilespmem:$0x13C80] =	vst v63  }
0xe6: {  	s25 =	simm.s32 $0x10300;
	s24 =	sadd.s32 $0x80, s1  }
0xe7: {  	[hbm4b:s24+s2] =	stream.linear.scatter [tilespmem:s25], [sflag:$0x1], $0x80, $0x38;
	[tilespmem:$0x13C80] =	vst v63  }
0xe8: {  	s26 =	sadd.s32 $0x100, s1;
	s28 =	simm.s32 $0x10700  }
0xe9: {  	[hbm4b:s26+s2] =	stream.linear.scatter [tilespmem:s28], [sflag:$0x1], $0x80, $0x38;
	[tilespmem:$0x13C80] =	vst v63  }
0xea: {  	s24 =	sadd.s32 $0x180, s1;
	s25 =	simm.s32 $0x10B00  }
0xeb: {  	[hbm4b:s24+s2] =	stream.linear.scatter [tilespmem:s25], [sflag:$0x1], $0x80, $0x38;
	[tilespmem:$0x13C80] =	vst v63  }
0xec: {  	s26 =	sadd.s32 $0x200, s1;
	s28 =	simm.s32 $0x10F00  }
0xed: {  	[hbm4b:s26+s2] =	stream.linear.scatter [tilespmem:s28], [sflag:$0x1], $0x80, $0x38;
	[tilespmem:$0x13C80] =	vst v63  }
0xee: {  	s24 =	sadd.s32 $0x280, s1;
	s25 =	simm.s32 $0x11300  }
0xef: {  	[hbm4b:s24+s2] =	stream.linear.scatter [tilespmem:s25], [sflag:$0x1], $0x80, $0x38;
	[tilespmem:$0x13C80] =	vst v63  }
0xf0: {  	s26 =	sadd.s32 $0x300, s1;
	s28 =	simm.s32 $0x11700  }
0xf1: {  	[hbm4b:s26+s2] =	stream.linear.scatter [tilespmem:s28], [sflag:$0x1], $0x80, $0x38;
	[tilespmem:$0x13C80] =	vst v63  }
0xf2: {  	s1 =	sadd.s32 $0x380, s1;
	s24 =	simm.s32 $0x11B00  }
0xf3: {  	[hbm4b:s1+s2] =	stream.linear.scatter [tilespmem:s24], [sflag:$0x1], $0x80, $0x38;
	[tilespmem:$0x13C80] =	vst v63  }
0xf4: {  	_ =	swait.ge [sflag:s23], $0x400  }
0xf5: {  	[sflag:s23] =	ssyncset.done $0x0  }
0xf6: {  	s25 =	simm.s32 $0xFF80;
	s1 =	sadd.s32 s4, s12;
	[sflag:s23] =	ssyncadd.s32 $0xFFFFFC00  }
0xf7: {  	[hbm4b:s1+s2] =	stream.linear.scatter [tilespmem:s25], [sflag:$0x1], $0x80, $0x38;
	[tilespmem:$0x13C80] =	vst v63  }
0xf8: {  	s28 =	simm.s32 $0x10380;
	s26 =	sadd.s32 $0x80, s1  }
0xf9: {  	[hbm4b:s26+s2] =	stream.linear.scatter [tilespmem:s28], [sflag:$0x1], $0x80, $0x38;
	[tilespmem:$0x13C80] =	vst v63  }
0xfa: {  	s24 =	sadd.s32 $0x100, s1;
	s25 =	simm.s32 $0x10780  }
0xfb: {  	[hbm4b:s24+s2] =	stream.linear.scatter [tilespmem:s25], [sflag:$0x1], $0x80, $0x38;
	[tilespmem:$0x13C80] =	vst v63  }
0xfc: {  	s26 =	sadd.s32 $0x180, s1;
	s28 =	simm.s32 $0x10B80  }
0xfd: {  	[hbm4b:s26+s2] =	stream.linear.scatter [tilespmem:s28], [sflag:$0x1], $0x80, $0x38;
	[tilespmem:$0x13C80] =	vst v63  }
0xfe: {  	s24 =	sadd.s32 $0x200, s1;
	s25 =	simm.s32 $0x10F80  }
0xff: {  	[hbm4b:s24+s2] =	stream.linear.scatter [tilespmem:s25], [sflag:$0x1], $0x80, $0x38;
	[tilespmem:$0x13C80] =	vst v63  }
0x100: {  	s26 =	sadd.s32 $0x280, s1;
	s28 =	simm.s32 $0x11380  }
0x101: {  	[hbm4b:s26+s2] =	stream.linear.scatter [tilespmem:s28], [sflag:$0x1], $0x80, $0x38;
	[tilespmem:$0x13C80] =	vst v63  }
0x102: {  	s24 =	sadd.s32 $0x300, s1;
	s25 =	simm.s32 $0x11780  }
0x103: {  	[hbm4b:s24+s2] =	stream.linear.scatter [tilespmem:s25], [sflag:$0x1], $0x80, $0x38;
	[tilespmem:$0x13C80] =	vst v63  }
0x104: {  	s1 =	sadd.s32 $0x380, s1;
	s26 =	simm.s32 $0x11B80  }
0x105: {  	[hbm4b:s1+s2] =	stream.linear.scatter [tilespmem:s26], [sflag:$0x1], $0x80, $0x38;
	[tilespmem:$0x13C80] =	vst v63  }
0x106: {  	_ =	swait.ge [sflag:s23], $0x400  }
0x107: {  	[sflag:s23] =	ssyncset.done $0x0  }
0x108: {  	s28 =	simm.s32 $0x10000;
	s1 =	sadd.s32 s4, s13;
	[sflag:s23] =	ssyncadd.s32 $0xFFFFFC00  }
0x109: {  	[hbm4b:s1+s2] =	stream.linear.scatter [tilespmem:s28], [sflag:$0x1], $0x80, $0x38;
	[tilespmem:$0x13C80] =	vst v63  }
0x10a: {  	s25 =	simm.s32 $0x10400;
	s24 =	sadd.s32 $0x80, s1  }
0x10b: {  	[hbm4b:s24+s2] =	stream.linear.scatter [tilespmem:s25], [sflag:$0x1], $0x80, $0x38;
	[tilespmem:$0x13C80] =	vst v63  }
0x10c: {  	s26 =	sadd.s32 $0x100, s1;
	s28 =	simm.s32 $0x10800  }
0x10d: {  	[hbm4b:s26+s2] =	stream.linear.scatter [tilespmem:s28], [sflag:$0x1], $0x80, $0x38;
	[tilespmem:$0x13C80] =	vst v63  }
0x10e: {  	s24 =	sadd.s32 $0x180, s1;
	s25 =	simm.s32 $0x10C00  }
0x10f: {  	[hbm4b:s24+s2] =	stream.linear.scatter [tilespmem:s25], [sflag:$0x1], $0x80, $0x38;
	[tilespmem:$0x13C80] =	vst v63  }
0x110: {  	s26 =	sadd.s32 $0x200, s1;
	s28 =	simm.s32 $0x11000  }
0x111: {  	[hbm4b:s26+s2] =	stream.linear.scatter [tilespmem:s28], [sflag:$0x1], $0x80, $0x38;
	[tilespmem:$0x13C80] =	vst v63  }
0x112: {  	s24 =	sadd.s32 $0x280, s1;
	s25 =	simm.s32 $0x11400  }
0x113: {  	[hbm4b:s24+s2] =	stream.linear.scatter [tilespmem:s25], [sflag:$0x1], $0x80, $0x38;
	[tilespmem:$0x13C80] =	vst v63  }
0x114: {  	s26 =	sadd.s32 $0x300, s1;
	s28 =	simm.s32 $0x11800  }
0x115: {  	[hbm4b:s26+s2] =	stream.linear.scatter [tilespmem:s28], [sflag:$0x1], $0x80, $0x38;
	[tilespmem:$0x13C80] =	vst v63  }
0x116: {  	s1 =	sadd.s32 $0x380, s1;
	s24 =	simm.s32 $0x11C00  }
0x117: {  	[hbm4b:s1+s2] =	stream.linear.scatter [tilespmem:s24], [sflag:$0x1], $0x80, $0x38;
	[tilespmem:$0x13C80] =	vst v63  }
0x118: {  	_ =	swait.ge [sflag:s23], $0x400  }
0x119: {  	[sflag:s23] =	ssyncset.done $0x0  }
0x11a: {  	s25 =	simm.s32 $0x11C80;
	s1 =	sadd.s32 s4, s14;
	[sflag:s23] =	ssyncadd.s32 $0xFFFFFC00  }
0x11b: {  	[hbm4b:s1+s2] =	stream.linear.scatter [tilespmem:s25], [sflag:$0x1], $0x80, $0x38;
	[tilespmem:$0x13C80] =	vst v63  }
0x11c: {  	s28 =	simm.s32 $0x12080;
	s26 =	sadd.s32 $0x80, s1  }
0x11d: {  	[hbm4b:s26+s2] =	stream.linear.scatter [tilespmem:s28], [sflag:$0x1], $0x80, $0x38;
	[tilespmem:$0x13C80] =	vst v63  }
0x11e: {  	s24 =	sadd.s32 $0x100, s1;
	s25 =	simm.s32 $0x12480  }
0x11f: {  	[hbm4b:s24+s2] =	stream.linear.scatter [tilespmem:s25], [sflag:$0x1], $0x80, $0x38;
	[tilespmem:$0x13C80] =	vst v63  }
0x120: {  	s26 =	sadd.s32 $0x180, s1;
	s28 =	simm.s32 $0x12880  }
0x121: {  	[hbm4b:s26+s2] =	stream.linear.scatter [tilespmem:s28], [sflag:$0x1], $0x80, $0x38;
	[tilespmem:$0x13C80] =	vst v63  }
0x122: {  	s24 =	sadd.s32 $0x200, s1;
	s25 =	simm.s32 $0x12C80  }
0x123: {  	[hbm4b:s24+s2] =	stream.linear.scatter [tilespmem:s25], [sflag:$0x1], $0x80, $0x38;
	[tilespmem:$0x13C80] =	vst v63  }
0x124: {  	s26 =	sadd.s32 $0x280, s1;
	s28 =	simm.s32 $0x13080  }
0x125: {  	[hbm4b:s26+s2] =	stream.linear.scatter [tilespmem:s28], [sflag:$0x1], $0x80, $0x38;
	[tilespmem:$0x13C80] =	vst v63  }
0x126: {  	s24 =	sadd.s32 $0x300, s1;
	s25 =	simm.s32 $0x13480  }
0x127: {  	[hbm4b:s24+s2] =	stream.linear.scatter [tilespmem:s25], [sflag:$0x1], $0x80, $0x38;
	[tilespmem:$0x13C80] =	vst v63  }
0x128: {  	s1 =	sadd.s32 $0x380, s1;
	s26 =	simm.s32 $0x13880  }
0x129: {  	[hbm4b:s1+s2] =	stream.linear.scatter [tilespmem:s26], [sflag:$0x1], $0x80, $0x38;
	[tilespmem:$0x13C80] =	vst v63  }
0x12a: {  	_ =	swait.ge [sflag:s23], $0x400  }
0x12b: {  	[sflag:s23] =	ssyncset.done $0x0  }
0x12c: {  	s28 =	simm.s32 $0x11D00;
	s1 =	sadd.s32 s4, s15;
	[sflag:s23] =	ssyncadd.s32 $0xFFFFFC00  }
0x12d: {  	[hbm4b:s1+s2] =	stream.linear.scatter [tilespmem:s28], [sflag:$0x1], $0x80, $0x38;
	[tilespmem:$0x13C80] =	vst v63  }
0x12e: {  	s25 =	simm.s32 $0x12100;
	s24 =	sadd.s32 $0x80, s1  }
0x12f: {  	[hbm4b:s24+s2] =	stream.linear.scatter [tilespmem:s25], [sflag:$0x1], $0x80, $0x38;
	[tilespmem:$0x13C80] =	vst v63  }
0x130: {  	s26 =	sadd.s32 $0x100, s1;
	s28 =	simm.s32 $0x12500  }
0x131: {  	[hbm4b:s26+s2] =	stream.linear.scatter [tilespmem:s28], [sflag:$0x1], $0x80, $0x38;
	[tilespmem:$0x13C80] =	vst v63  }
0x132: {  	s24 =	sadd.s32 $0x180, s1;
	s25 =	simm.s32 $0x12900  }
0x133: {  	[hbm4b:s24+s2] =	stream.linear.scatter [tilespmem:s25], [sflag:$0x1], $0x80, $0x38;
	[tilespmem:$0x13C80] =	vst v63  }
0x134: {  	s26 =	sadd.s32 $0x200, s1;
	s28 =	simm.s32 $0x12D00  }
0x135: {  	[hbm4b:s26+s2] =	stream.linear.scatter [tilespmem:s28], [sflag:$0x1], $0x80, $0x38;
	[tilespmem:$0x13C80] =	vst v63  }
0x136: {  	s24 =	sadd.s32 $0x280, s1;
	s25 =	simm.s32 $0x13100  }
0x137: {  	[hbm4b:s24+s2] =	stream.linear.scatter [tilespmem:s25], [sflag:$0x1], $0x80, $0x38;
	[tilespmem:$0x13C80] =	vst v63  }
0x138: {  	s26 =	sadd.s32 $0x300, s1;
	s28 =	simm.s32 $0x13500  }
0x139: {  	[hbm4b:s26+s2] =	stream.linear.scatter [tilespmem:s28], [sflag:$0x1], $0x80, $0x38;
	[tilespmem:$0x13C80] =	vst v63  }
0x13a: {  	s1 =	sadd.s32 $0x380, s1;
	s24 =	simm.s32 $0x13900  }
0x13b: {  	[hbm4b:s1+s2] =	stream.linear.scatter [tilespmem:s24], [sflag:$0x1], $0x80, $0x38;
	[tilespmem:$0x13C80] =	vst v63  }
0x13c: {  	_ =	swait.ge [sflag:s23], $0x400  }
0x13d: {  	[sflag:s23] =	ssyncset.done $0x0  }
0x13e: {  	s25 =	simm.s32 $0x11D80;
	s1 =	sadd.s32 s4, s16;
	[sflag:s23] =	ssyncadd.s32 $0xFFFFFC00  }
0x13f: {  	[hbm4b:s1+s2] =	stream.linear.scatter [tilespmem:s25], [sflag:$0x1], $0x80, $0x38;
	[tilespmem:$0x13C80] =	vst v63  }
0x140: {  	s28 =	simm.s32 $0x12180;
	s26 =	sadd.s32 $0x80, s1  }
0x141: {  	[hbm4b:s26+s2] =	stream.linear.scatter [tilespmem:s28], [sflag:$0x1], $0x80, $0x38;
	[tilespmem:$0x13C80] =	vst v63  }
0x142: {  	s24 =	sadd.s32 $0x100, s1;
	s25 =	simm.s32 $0x12580  }
0x143: {  	[hbm4b:s24+s2] =	stream.linear.scatter [tilespmem:s25], [sflag:$0x1], $0x80, $0x38;
	[tilespmem:$0x13C80] =	vst v63  }
0x144: {  	s26 =	sadd.s32 $0x180, s1;
	s28 =	simm.s32 $0x12980  }
0x145: {  	[hbm4b:s26+s2] =	stream.linear.scatter [tilespmem:s28], [sflag:$0x1], $0x80, $0x38;
	[tilespmem:$0x13C80] =	vst v63  }
0x146: {  	s24 =	sadd.s32 $0x200, s1;
	s25 =	simm.s32 $0x12D80  }
0x147: {  	[hbm4b:s24+s2] =	stream.linear.scatter [tilespmem:s25], [sflag:$0x1], $0x80, $0x38;
	[tilespmem:$0x13C80] =	vst v63  }
0x148: {  	s26 =	sadd.s32 $0x280, s1;
	s28 =	simm.s32 $0x13180  }
0x149: {  	[hbm4b:s26+s2] =	stream.linear.scatter [tilespmem:s28], [sflag:$0x1], $0x80, $0x38;
	[tilespmem:$0x13C80] =	vst v63  }
0x14a: {  	s24 =	sadd.s32 $0x300, s1;
	s25 =	simm.s32 $0x13580  }
0x14b: {  	[hbm4b:s24+s2] =	stream.linear.scatter [tilespmem:s25], [sflag:$0x1], $0x80, $0x38;
	[tilespmem:$0x13C80] =	vst v63  }
0x14c: {  	s1 =	sadd.s32 $0x380, s1;
	s26 =	simm.s32 $0x13980  }
0x14d: {  	[hbm4b:s1+s2] =	stream.linear.scatter [tilespmem:s26], [sflag:$0x1], $0x80, $0x38;
	[tilespmem:$0x13C80] =	vst v63  }
0x14e: {  	_ =	swait.ge [sflag:s23], $0x400  }
0x14f: {  	[sflag:s23] =	ssyncset.done $0x0  }
0x150: {  	s28 =	simm.s32 $0x11E00;
	s1 =	sadd.s32 s4, s17;
	[sflag:s23] =	ssyncadd.s32 $0xFFFFFC00  }
0x151: {  	[hbm4b:s1+s2] =	stream.linear.scatter [tilespmem:s28], [sflag:$0x1], $0x80, $0x38;
	[tilespmem:$0x13C80] =	vst v63  }
0x152: {  	s25 =	simm.s32 $0x12200;
	s24 =	sadd.s32 $0x80, s1  }
0x153: {  	[hbm4b:s24+s2] =	stream.linear.scatter [tilespmem:s25], [sflag:$0x1], $0x80, $0x38;
	[tilespmem:$0x13C80] =	vst v63  }
0x154: {  	s26 =	sadd.s32 $0x100, s1;
	s28 =	simm.s32 $0x12600  }
0x155: {  	[hbm4b:s26+s2] =	stream.linear.scatter [tilespmem:s28], [sflag:$0x1], $0x80, $0x38;
	[tilespmem:$0x13C80] =	vst v63  }
0x156: {  	s24 =	sadd.s32 $0x180, s1;
	s25 =	simm.s32 $0x12A00  }
0x157: {  	[hbm4b:s24+s2] =	stream.linear.scatter [tilespmem:s25], [sflag:$0x1], $0x80, $0x38;
	[tilespmem:$0x13C80] =	vst v63  }
0x158: {  	s26 =	sadd.s32 $0x200, s1;
	s28 =	simm.s32 $0x12E00  }
0x159: {  	[hbm4b:s26+s2] =	stream.linear.scatter [tilespmem:s28], [sflag:$0x1], $0x80, $0x38;
	[tilespmem:$0x13C80] =	vst v63  }
0x15a: {  	s24 =	sadd.s32 $0x280, s1;
	s25 =	simm.s32 $0x13200  }
0x15b: {  	[hbm4b:s24+s2] =	stream.linear.scatter [tilespmem:s25], [sflag:$0x1], $0x80, $0x38;
	[tilespmem:$0x13C80] =	vst v63  }
0x15c: {  	s26 =	sadd.s32 $0x300, s1;
	s28 =	simm.s32 $0x13600  }
0x15d: {  	[hbm4b:s26+s2] =	stream.linear.scatter [tilespmem:s28], [sflag:$0x1], $0x80, $0x38;
	[tilespmem:$0x13C80] =	vst v63  }
0x15e: {  	s1 =	sadd.s32 $0x380, s1;
	s24 =	simm.s32 $0x13A00  }
0x15f: {  	[hbm4b:s1+s2] =	stream.linear.scatter [tilespmem:s24], [sflag:$0x1], $0x80, $0x38;
	[tilespmem:$0x13C80] =	vst v63  }
0x160: {  	_ =	swait.ge [sflag:s23], $0x400  }
0x161: {  	[sflag:s23] =	ssyncset.done $0x0  }
0x162: {  	s25 =	simm.s32 $0x11E80;
	s1 =	sadd.s32 s4, s18;
	[sflag:s23] =	ssyncadd.s32 $0xFFFFFC00  }
0x163: {  	[hbm4b:s1+s2] =	stream.linear.scatter [tilespmem:s25], [sflag:$0x1], $0x80, $0x38;
	[tilespmem:$0x13C80] =	vst v63  }
0x164: {  	s28 =	simm.s32 $0x12280;
	s26 =	sadd.s32 $0x80, s1  }
0x165: {  	[hbm4b:s26+s2] =	stream.linear.scatter [tilespmem:s28], [sflag:$0x1], $0x80, $0x38;
	[tilespmem:$0x13C80] =	vst v63  }
0x166: {  	s24 =	sadd.s32 $0x100, s1;
	s25 =	simm.s32 $0x12680  }
0x167: {  	[hbm4b:s24+s2] =	stream.linear.scatter [tilespmem:s25], [sflag:$0x1], $0x80, $0x38;
	[tilespmem:$0x13C80] =	vst v63  }
0x168: {  	s26 =	sadd.s32 $0x180, s1;
	s28 =	simm.s32 $0x12A80  }
0x169: {  	[hbm4b:s26+s2] =	stream.linear.scatter [tilespmem:s28], [sflag:$0x1], $0x80, $0x38;
	[tilespmem:$0x13C80] =	vst v63  }
0x16a: {  	s24 =	sadd.s32 $0x200, s1;
	s25 =	simm.s32 $0x12E80  }
0x16b: {  	[hbm4b:s24+s2] =	stream.linear.scatter [tilespmem:s25], [sflag:$0x1], $0x80, $0x38;
	[tilespmem:$0x13C80] =	vst v63  }
0x16c: {  	s26 =	sadd.s32 $0x280, s1;
	s28 =	simm.s32 $0x13280  }
0x16d: {  	[hbm4b:s26+s2] =	stream.linear.scatter [tilespmem:s28], [sflag:$0x1], $0x80, $0x38;
	[tilespmem:$0x13C80] =	vst v63  }
0x16e: {  	s24 =	sadd.s32 $0x300, s1;
	s25 =	simm.s32 $0x13680  }
0x16f: {  	[hbm4b:s24+s2] =	stream.linear.scatter [tilespmem:s25], [sflag:$0x1], $0x80, $0x38;
	[tilespmem:$0x13C80] =	vst v63  }
0x170: {  	s1 =	sadd.s32 $0x380, s1;
	s26 =	simm.s32 $0x13A80  }
0x171: {  	[hbm4b:s1+s2] =	stream.linear.scatter [tilespmem:s26], [sflag:$0x1], $0x80, $0x38;
	[tilespmem:$0x13C80] =	vst v63  }
0x172: {  	_ =	swait.ge [sflag:s23], $0x400  }
0x173: {  	[sflag:s23] =	ssyncset.done $0x0  }
0x174: {  	s28 =	simm.s32 $0x11F00;
	s1 =	sadd.s32 s4, s19;
	[sflag:s23] =	ssyncadd.s32 $0xFFFFFC00  }
0x175: {  	[hbm4b:s1+s2] =	stream.linear.scatter [tilespmem:s28], [sflag:$0x1], $0x80, $0x38;
	[tilespmem:$0x13C80] =	vst v63  }
0x176: {  	s25 =	simm.s32 $0x12300;
	s24 =	sadd.s32 $0x80, s1  }
0x177: {  	[hbm4b:s24+s2] =	stream.linear.scatter [tilespmem:s25], [sflag:$0x1], $0x80, $0x38;
	[tilespmem:$0x13C80] =	vst v63  }
0x178: {  	s26 =	sadd.s32 $0x100, s1;
	s28 =	simm.s32 $0x12700  }
0x179: {  	[hbm4b:s26+s2] =	stream.linear.scatter [tilespmem:s28], [sflag:$0x1], $0x80, $0x38;
	[tilespmem:$0x13C80] =	vst v63  }
0x17a: {  	s24 =	sadd.s32 $0x180, s1;
	s25 =	simm.s32 $0x12B00  }
0x17b: {  	[hbm4b:s24+s2] =	stream.linear.scatter [tilespmem:s25], [sflag:$0x1], $0x80, $0x38;
	[tilespmem:$0x13C80] =	vst v63  }
0x17c: {  	s26 =	sadd.s32 $0x200, s1;
	s28 =	simm.s32 $0x12F00  }
0x17d: {  	[hbm4b:s26+s2] =	stream.linear.scatter [tilespmem:s28], [sflag:$0x1], $0x80, $0x38;
	[tilespmem:$0x13C80] =	vst v63  }
0x17e: {  	s24 =	sadd.s32 $0x280, s1;
	s25 =	simm.s32 $0x13300  }
0x17f: {  	[hbm4b:s24+s2] =	stream.linear.scatter [tilespmem:s25], [sflag:$0x1], $0x80, $0x38;
	[tilespmem:$0x13C80] =	vst v63  }
0x180: {  	s26 =	sadd.s32 $0x300, s1;
	s28 =	simm.s32 $0x13700  }
0x181: {  	[hbm4b:s26+s2] =	stream.linear.scatter [tilespmem:s28], [sflag:$0x1], $0x80, $0x38;
	[tilespmem:$0x13C80] =	vst v63  }
0x182: {  	s1 =	sadd.s32 $0x380, s1;
	s24 =	simm.s32 $0x13B00  }
0x183: {  	[hbm4b:s1+s2] =	stream.linear.scatter [tilespmem:s24], [sflag:$0x1], $0x80, $0x38;
	[tilespmem:$0x13C80] =	vst v63  }
0x184: {  	_ =	swait.ge [sflag:s23], $0x400  }
0x185: {  	[sflag:s23] =	ssyncset.done $0x0  }
0x186: {  	s25 =	simm.s32 $0x11F80;
	s1 =	sadd.s32 s4, s20;
	[sflag:s23] =	ssyncadd.s32 $0xFFFFFC00  }
0x187: {  	[hbm4b:s1+s2] =	stream.linear.scatter [tilespmem:s25], [sflag:$0x1], $0x80, $0x38;
	[tilespmem:$0x13C80] =	vst v63  }
0x188: {  	s28 =	simm.s32 $0x12380;
	s26 =	sadd.s32 $0x80, s1  }
0x189: {  	[hbm4b:s26+s2] =	stream.linear.scatter [tilespmem:s28], [sflag:$0x1], $0x80, $0x38;
	[tilespmem:$0x13C80] =	vst v63  }
0x18a: {  	s24 =	sadd.s32 $0x100, s1;
	s25 =	simm.s32 $0x12780  }
0x18b: {  	[hbm4b:s24+s2] =	stream.linear.scatter [tilespmem:s25], [sflag:$0x1], $0x80, $0x38;
	[tilespmem:$0x13C80] =	vst v63  }
0x18c: {  	s26 =	sadd.s32 $0x180, s1;
	s28 =	simm.s32 $0x12B80  }
0x18d: {  	[hbm4b:s26+s2] =	stream.linear.scatter [tilespmem:s28], [sflag:$0x1], $0x80, $0x38;
	[tilespmem:$0x13C80] =	vst v63  }
0x18e: {  	s24 =	sadd.s32 $0x200, s1;
	s25 =	simm.s32 $0x12F80  }
0x18f: {  	[hbm4b:s24+s2] =	stream.linear.scatter [tilespmem:s25], [sflag:$0x1], $0x80, $0x38;
	[tilespmem:$0x13C80] =	vst v63  }
0x190: {  	s26 =	sadd.s32 $0x280, s1;
	s28 =	simm.s32 $0x13380  }
0x191: {  	[hbm4b:s26+s2] =	stream.linear.scatter [tilespmem:s28], [sflag:$0x1], $0x80, $0x38;
	[tilespmem:$0x13C80] =	vst v63  }
0x192: {  	s25 =	sadd.s32 $0x300, s1;
	s26 =	simm.s32 $0x13780  }
0x193: {  	[hbm4b:s25+s2] =	stream.linear.scatter [tilespmem:s26], [sflag:$0x1], $0x80, $0x38;
	[tilespmem:$0x13C80] =	vst v63  }
0x194: {  	s1 =	sadd.s32 $0x380, s1;
	s28 =	simm.s32 $0x13B80  }
0x195: {  	[hbm4b:s1+s2] =	stream.linear.scatter [tilespmem:s28], [sflag:$0x1], $0x80, $0x38;
	[tilespmem:$0x13C80] =	vst v63  }
0x196: {  	_ =	swait.ge [sflag:s23], $0x400  }
0x197: {  	[sflag:s23] =	ssyncset.done $0x0  }
0x198: {  	s22 =	simm.s32 $0x12000;
	s1 =	sadd.s32 s4, s21;
	[sflag:s23] =	ssyncadd.s32 $0xFFFFFC00  }
0x199: {  	[hbm4b:s1+s2] =	stream.linear.scatter [tilespmem:s22], [sflag:$0x1], $0x80, $0x38;
	[tilespmem:$0x13C80] =	vst v63  }
0x19a: {  	s25 =	simm.s32 $0x12400;
	s24 =	sadd.s32 $0x80, s1  }
0x19b: {  	[hbm4b:s24+s2] =	stream.linear.scatter [tilespmem:s25], [sflag:$0x1], $0x80, $0x38;
	[tilespmem:$0x13C80] =	vst v63  }
0x19c: {  	s28 =	simm.s32 $0x12800;
	s26 =	sadd.s32 $0x100, s1  }
0x19d: {  	[hbm4b:s26+s2] =	stream.linear.scatter [tilespmem:s28], [sflag:$0x1], $0x80, $0x38;
	[tilespmem:$0x13C80] =	vst v63  }
0x19e: {  	s22 =	sadd.s32 $0x180, s1;
	s24 =	simm.s32 $0x12C00  }
0x19f: {  	[hbm4b:s22+s2] =	stream.linear.scatter [tilespmem:s24], [sflag:$0x1], $0x80, $0x38;
	[tilespmem:$0x13C80] =	vst v63  }
0x1a0: {  	s25 =	sadd.s32 $0x200, s1  }
0x1a1: {  	[hbm4b:s25+s2] =	stream.linear.scatter [tilespmem:s29], [sflag:$0x1], $0x80, $0x38;
	[tilespmem:$0x13C80] =	vst v63  }
0x1a2: {  	s3 =	sadd.s32 $0x1, s3;
	s26 =	sadd.s32 $0x280, s1  }
0x1a3: {  	[hbm4b:s26+s2] =	stream.linear.scatter [tilespmem:s30], [sflag:$0x1], $0x80, $0x38;
	[tilespmem:$0x13C80] =	vst v63  }
0x1a4: {  	p0 =	sne.s32 s3, $0x20;
	s28 =	sadd.s32 $0x300, s1  }
0x1a5: {  	[hbm4b:s28+s2] =	stream.linear.scatter [tilespmem:s31], [sflag:$0x1], $0x80, $0x38;
	[tilespmem:$0x13C80] =	vst v63  }
.Ltmp1:
0x1a6: {  	s1 =	sadd.s32 $0x380, s1;
	(pc) =	sbr.rel @p0 .LBB2_2-.Ltmp1, $4  }
0x1a7: {  	[hbm4b:s1+s2] =	stream.linear.scatter [tilespmem:s0], [sflag:$0x1], $0x80, $0x38;
	[tilespmem:$0x13C80] =	vst v63  }
0x1a8: {  	_ =	swait.ge [sflag:s23], $0x400  }
0x1a9: {  	[sflag:s23] =	ssyncset.done $0x0  }
0x1aa: {  	[sflag:s23] =	ssyncadd.s32 $0xFFFFFC00  }
0x1ab: {  	s3 =	rddreg [dreg:$0x5]  }
0x1ac: {  	s1 =	rddreg [dreg:$0x4];
	s3 =	sadd.s32 $0x1, s3  }
0x1ad: {  	p0 =	sne.s32 s3, s1  }
.Ltmp2:
0x1ae: {  	_ = 	snop;
	(pc) =	sbr.rel @p0 .LBB2_1-.Ltmp2, $1  }
0x1af: {  	_ =	sdelay $0x3  }
0x1b0: {  	_ =	sfence.sel $0x180000  }
0x1b1: {  	[bflag:$0x0] =	sbarrier.arrive $0xFFFF  }
0x1b2: {  	_ =	strace $0x90000047  }
0x1b3: {  	s0 =	stileid.u32;
	[bflag:$0x2] =	sbarrier.arrive $0xFFFF  }
0x1b4: {  	p0 =	sne.s32 s0, $0x0;
	s0 =	rddreg [dreg:$0x2]  }
0x1b5: {  	s0 =	sadd.s32 @!p0 $0x100000, s0  }
0x1b6: {  	[sflag:s0] =	ssyncadd.tile.s32 @!p0 $0x1;
	_ =	shalt  }
.Lfunc_end2:
_tile_overlayer_lowered:
.L_overlay_start_2:
0x1b7: {  	(tag) =	ssettag $0x2  }
0x1b8: {  	s0 =	rddreg [dreg:$0x0];
	s2 =	stileid.u32  }
0x1b9: {  	s1 =	rddreg [dreg:$0x1];
	p0 =	sne.s32 s2, $0x0  }
0x1ba: {  	s3 =	rddreg [dreg:$0x2];
	[bflag:$0x3] =	sbarrier.arrive $0xFFFF;
	s2 =	simm.s32 @!p0 $0x1C01  }
0x1bb: {  	[timem:s3], [sflag:s2] =	dma.local @!p0 [hbm:s0], s1  }
0x1bc: {  	s0 =	simm.s32 @!p0 $0x1  }
0x1bd: {  	_ =	swait.ge @!p0 [sflag:s0], s1  }
0x1be: {  	s1 =	ssub.s32 @!p0 $0x0, s1;
	[sflag:s0] =	ssyncset.done @!p0 $0x0  }
0x1bf: {  	[sflag:s0] =	ssyncadd.s32 @!p0 s1  }
0x1c0: {  	[bflag:$0x3] =	sbarrier.arrive $0xFFFF  }
0x1c1: {  	_ =	shalt  }

</sc_bundles>
